<compile_context>
chip_gen: v7x
topology: tpu7x:2x2x1
jax: 0.10.2.dev20260603
libtpu: 0.0.44.dev20260713+nightly
codegen_flags: <defaults>
</compile_context>

<pallas_src>
import functools

import jax
import jax.numpy as jnp
from jax import lax
from jax.experimental import pallas as pl
from jax.experimental.pallas import tpu as pltpu
from jax.experimental.pallas import tpu_sc as plsc

NC = 2
NS = 16
NW = NC * NS
L = 16

B = 16384
CH = 256
RG = 32


def _sc_partials(row2, col_idx, values, table_flat, zeros, n_dims):
    nnz = col_idx.shape[0]
    H = n_dims
    VH = table_flat.shape[0]
    per_w = nnz // NW
    n_chunks = per_w // CH
    assert per_w % CH == 0 and CH % RG == 0 and B % NS == 0

    mesh = plsc.VectorSubcoreMesh(
        core_axis_name="c", subcore_axis_name="s", num_cores=NC, num_subcores=NS
    )

    @functools.partial(
        pl.kernel,
        out_type=jax.ShapeDtypeStruct((NC, B, H), jnp.float32),
        mesh=mesh,
        scratch_types=[
            pltpu.VMEM((VH,), jnp.float32),
            pltpu.VMEM((CH,), jnp.int32),
            pltpu.VMEM((CH,), jnp.float32),
            pltpu.VMEM((CH // RG, RG), jnp.int32),
            pltpu.VMEM((CH, H), jnp.float32),
            pltpu.VMEM_SHARED((B, H), jnp.float32),
            pltpu.SemaphoreType.DMA,
            pltpu.SemaphoreType.DMA,
            pltpu.SemaphoreType.DMA,
            pltpu.SemaphoreType.DMA,
        ],
        compiler_params=pltpu.CompilerParams(use_tc_tiling_on_sc=False),
    )
    def sc_kernel(row_hbm, col_hbm, val_hbm, table_hbm, zeros_hbm, out_hbm,
                  table_v, col_v, val_v, row_v, buf, acc_sh,
                  sem0, sem1, sem2, sem3):
        c = lax.axis_index("c")
        s = lax.axis_index("s")
        w = c * NS + s

        tcopy = pltpu.async_copy(table_hbm, table_v, sem3)
        rows_per_tile = B // NS
        pltpu.sync_copy(
            zeros_hbm.at[pl.ds(s * rows_per_tile, rows_per_tile), :],
            acc_sh.at[pl.ds(s * rows_per_tile, rows_per_tile), :],
        )
        tcopy.wait()
        plsc.subcore_barrier()

        def chunk_body(k, _):
            base = w * per_w + k * CH
            cp0 = pltpu.async_copy(col_hbm.at[pl.ds(base, CH)], col_v, sem0)
            cp1 = pltpu.async_copy(val_hbm.at[pl.ds(base, CH)], val_v, sem1)
            cp2 = pltpu.async_copy(
                row_hbm.at[pl.ds(pl.multiple_of(base // RG, 8), CH // RG), :],
                row_v,
                sem2,
            )
            cp0.wait()
            cp1.wait()

            def g_body(g, _):
                cvecw = col_v[pl.ds(g * L, L)] * H
                vvec = val_v[pl.ds(g * L, L)]
                for jj in range(L):
                    colw = cvecw[jj]
                    val = vvec[jj]
                    i = g * L + jj
                    for j in range(H // L):
                        buf[i, pl.ds(j * L, L)] = (
                            table_v[pl.ds(colw + j * L, L)] * val
                        )
                return 0

            lax.fori_loop(0, CH // L, g_body, 0)
            cp2.wait()
            for gg in range(CH // RG):
                pltpu.sync_copy(
                    buf.at[pl.ds(gg * RG, RG), :],
                    acc_sh.at[row_v.at[gg]],
                    add=True,
                )
            return 0

        lax.fori_loop(0, n_chunks, chunk_body, 0)

        plsc.subcore_barrier()
        pltpu.sync_copy(
            acc_sh.at[pl.ds(s * rows_per_tile, rows_per_tile), :],
            out_hbm.at[c, pl.ds(s * rows_per_tile, rows_per_tile), :],
        )

    return sc_kernel(row2, col_idx, values, table_flat, zeros)


def _head(partials, bias, dense_w, dense_b):
    _, b_rows, H = partials.shape
    n_cls = dense_w.shape[1]
    BLK = 2048

    def head_kernel(p_ref, bias_ref, w_ref, b_ref, o_ref):
        h = p_ref[0] + p_ref[1] + bias_ref[...]
        mask = jnp.where(h > 0.0, 1.0, 0.5)
        h = jnp.maximum(h * mask, 0.0)
        o_ref[...] = (
            jnp.dot(h, w_ref[...], preferred_element_type=jnp.float32)
            + b_ref[...]
        )

    return pl.pallas_call(
        head_kernel,
        grid=(b_rows // BLK,),
        in_specs=[
            pl.BlockSpec((NC, BLK, H), lambda i: (0, i, 0)),
            pl.BlockSpec((1, H), lambda i: (0, 0)),
            pl.BlockSpec((H, n_cls), lambda i: (0, 0)),
            pl.BlockSpec((1, n_cls), lambda i: (0, 0)),
        ],
        out_specs=pl.BlockSpec((BLK, n_cls), lambda i: (i, 0)),
        out_shape=jax.ShapeDtypeStruct((b_rows, n_cls), jnp.float32),
    )(partials, bias, dense_w, dense_b)


def kernel(row_idx, col_idx, values, kernel, bias, dense_w, dense_b):
    nnz = row_idx.shape[0]
    V, H = kernel.shape
    row2 = row_idx.reshape(nnz // RG, RG)
    zeros = jnp.zeros((B, H), jnp.float32)
    partials = _sc_partials(row2, col_idx, values, kernel.reshape(V * H),
                            zeros, H)
    return _head(
        partials,
        bias.reshape(1, -1),
        dense_w,
        dense_b.reshape(1, -1),
    )

# --- scband reference (transcript-rebuilt; emitter-appended) ---
"""Pipeline reference for scband-sparse-classifier-46437186404823 (READ-ONLY COPY).

The authoritative reference and input builder live on the scoring server;
editing this copy changes nothing except your own understanding.
"""

import jax, jax.numpy as jnp
import numpy as np

B = 16384
NNZ = 425984
VECTOR_DIM = 512
HIDDEN = 64
NUM_CLASSES = 3


def setup_inputs(seed: int = 0) -> dict:
    key = jax.random.key(seed)
    k1, k2, k3, k4, k5, k6, k7 = jax.random.split(key, 7)
    row_idx = jnp.sort(jax.random.randint(k1, (NNZ,), 0, B, dtype=jnp.int32))
    col_idx = jax.random.randint(k2, (NNZ,), 0, VECTOR_DIM, dtype=jnp.int32)
    values = jax.random.normal(k3, (NNZ,), dtype=jnp.float32)
    # learned parameters
    limit = np.sqrt(6.0 / (VECTOR_DIM + HIDDEN))
    kernel = jax.random.uniform(k4, (VECTOR_DIM, HIDDEN), minval=-limit, maxval=limit, dtype=jnp.float32)
    bias = jnp.zeros((HIDDEN,), dtype=jnp.float32)
    limit2 = np.sqrt(6.0 / (HIDDEN + NUM_CLASSES))
    dense_w = jax.random.uniform(k5, (HIDDEN, NUM_CLASSES), minval=-limit2, maxval=limit2, dtype=jnp.float32)
    dense_b = jnp.zeros((NUM_CLASSES,), dtype=jnp.float32)
    return {
        "row_idx": row_idx,
        "col_idx": col_idx,
        "values": values,
        "kernel": kernel,
        "bias": bias,
        "dense_w": dense_w,
        "dense_b": dense_b,
    }


def reference(row_idx, col_idx, values, kernel, bias, dense_w, dense_b):
    # sparse_dense_matmul: out[r, :] += values[i] * kernel[col_idx[i], :] for row_idx[i] == r
    gathered = values[:, None] * jnp.take(kernel, col_idx, axis=0)
    hidden = jax.ops.segment_sum(gathered, row_idx, num_segments=B) + bias
    mask = jnp.where(hidden > 0.0, 1.0, 0.5)
    hidden = jax.nn.relu(hidden * mask)
    logits = hidden @ dense_w + dense_b
    return logits

if __name__ == "__main__":
    import jax
    _d = setup_inputs()
    print(jax.jit(kernel)(*tuple(_d.values())))

</pallas_src>

<mosaic_0001>
#map = affine_map<(d0, d1) -> (0, 0)>
#map1 = affine_map<(d0, d1) -> (0)>
#map2 = affine_map<(d0, d1) -> (0, 0, 0)>
module attributes {stable_mosaic.version = 14 : i64} {
  func.func @sc_kernel(%arg0: i32, %arg1: i32, %arg2: memref<13312x32xi32, #tpu.memory_space<hbm>>, %arg3: memref<425984xi32, #tpu.memory_space<hbm>>, %arg4: memref<425984xf32, #tpu.memory_space<hbm>>, %arg5: memref<32768xf32, #tpu.memory_space<hbm>>, %arg6: memref<16384x64xf32, #tpu.memory_space<hbm>>, %arg7: memref<2x16384x64xf32, #tpu.memory_space<hbm>>, %arg8: memref<32768xf32, #tpu.memory_space<vmem>>, %arg9: memref<256xi32, #tpu.memory_space<vmem>>, %arg10: memref<256xf32, #tpu.memory_space<vmem>>, %arg11: memref<8x32xi32, #tpu.memory_space<vmem>>, %arg12: memref<256x64xf32, #tpu.memory_space<vmem>>, %arg13: memref<16384x64xf32, #tpu.memory_space<vmem_shared>>, %arg14: memref<!tpu.dma_semaphore, #tpu.memory_space<semaphore_mem>>, %arg15: memref<!tpu.dma_semaphore, #tpu.memory_space<semaphore_mem>>, %arg16: memref<!tpu.dma_semaphore, #tpu.memory_space<semaphore_mem>>, %arg17: memref<!tpu.dma_semaphore, #tpu.memory_space<semaphore_mem>>) attributes {dimension_semantics = [#tpu.dimension_semantics<core_parallel>, #tpu.dimension_semantics<subcore_parallel>], iteration_bounds = array<i64: 2, 16>, scalar_prefetch = 0 : i64, scratch_operands = 10 : i64, tpu.core_type = #tpu.core_type<sc_vector_subcore>, window_params = [{transform_indices = #map}, {transform_indices = #map1}, {transform_indices = #map1}, {transform_indices = #map1}, {transform_indices = #map}, {transform_indices = #map2}]} {
    %mul3A = arith.constant 16 : i32
    %mul3A_0 = arith.muli %arg0, %mul3A : i32
    %add3A = arith.addi %mul3A_0, %arg1 : i32
    tpu.enqueue_dma source(%arg5 : memref<32768xf32, #tpu.memory_space<hbm>>) target(%arg8 : memref<32768xf32, #tpu.memory_space<vmem>>) target_semaphore(%arg17 : memref<!tpu.dma_semaphore, #tpu.memory_space<semaphore_mem>>)
    %mul3A_1 = arith.constant 1024 : i32
    %mul3A_2 = arith.muli %arg1, %mul3A_1 : i32
    %mul3A_3 = arith.constant 1024 : i32
    %mul3A_4 = arith.muli %arg1, %mul3A_3 : i32
    "tpu.region"() ({
      %run_scoped3A = tpu.sem_alloc : memref<!tpu.dma_semaphore, #tpu.memory_space<semaphore_mem>>
      %dma_start3A = arith.constant 0 : i32
      %dma_start3A_16 = tpu.memref_slice %arg13[%mul3A_4, %dma_start3A] : memref<16384x64xf32, #tpu.memory_space<vmem_shared>> -> memref<1024x64xf32, #tpu.memory_space<vmem_shared>>
      %dma_start3A_17 = arith.constant 0 : i32
      %dma_start3A_18 = tpu.memref_slice %arg6[%mul3A_2, %dma_start3A_17] : memref<16384x64xf32, #tpu.memory_space<hbm>> -> memref<1024x64xf32, #tpu.memory_space<hbm>>
      tpu.enqueue_dma source(%dma_start3A_18 : memref<1024x64xf32, #tpu.memory_space<hbm>>) target(%dma_start3A_16 : memref<1024x64xf32, #tpu.memory_space<vmem_shared>>) target_semaphore(%run_scoped3A : memref<!tpu.dma_semaphore, #tpu.memory_space<semaphore_mem>>)
      %dma_wait3A = arith.constant 0 : i32
      %dma_wait3A_19 = tpu.memref_slice %arg13[%mul3A_4, %dma_wait3A] : memref<16384x64xf32, #tpu.memory_space<vmem_shared>> -> memref<1024x64xf32, #tpu.memory_space<vmem_shared>>
      %dma_wait3A_20 = arith.constant 0 : i32
      %dma_wait3A_21 = tpu.memref_slice %arg6[%mul3A_2, %dma_wait3A_20] : memref<16384x64xf32, #tpu.memory_space<hbm>> -> memref<1024x64xf32, #tpu.memory_space<hbm>>
      tpu.wait_dma2 semaphore(%run_scoped3A : memref<!tpu.dma_semaphore, #tpu.memory_space<semaphore_mem>>) src(%dma_wait3A_21 : memref<1024x64xf32, #tpu.memory_space<hbm>>) dst(%dma_wait3A_19 : memref<1024x64xf32, #tpu.memory_space<vmem_shared>>)
      tpu.yield
    }) : () -> ()
    tpu.wait_dma2 semaphore(%arg17 : memref<!tpu.dma_semaphore, #tpu.memory_space<semaphore_mem>>) src(%arg5 : memref<32768xf32, #tpu.memory_space<hbm>>) dst(%arg8 : memref<32768xf32, #tpu.memory_space<vmem>>)
    %barrier3A = arith.constant 0 : index
    tpu.barrier barrier_id(%barrier3A)
    %scan3A = arith.constant 0 : i32
    %scan3A_5 = arith.constant 0 : i32
    %scan3A_6 = arith.constant 52 : i32
    %scan3A_7 = arith.addi %scan3A_5, %scan3A_6 : i32
    %scan3A_8 = arith.constant 1 : i32
    %scan3A_9 = scf.for %scan3A_16 = %scan3A_5 to %scan3A_7 step %scan3A_8 iter_args(%scan3A_17 = %scan3A) -> (i32)  : i32 {
      %mul3A_18 = arith.constant 13312 : i32
      %mul3A_19 = arith.muli %add3A, %mul3A_18 : i32
      %mul3A_20 = arith.constant 256 : i32
      %mul3A_21 = arith.muli %scan3A_16, %mul3A_20 : i32
      %add3A_22 = arith.addi %mul3A_19, %mul3A_21 : i32
      %dma_start3A = tpu.memref_slice %arg3[%add3A_22] : memref<425984xi32, #tpu.memory_space<hbm>> -> memref<256xi32, #tpu.memory_space<hbm>>
      %dma_start3A_23 = tpu.memref_slice %arg3[%add3A_22] : memref<425984xi32, #tpu.memory_space<hbm>> -> memref<256xi32, #tpu.memory_space<hbm>>
      tpu.enqueue_dma source(%dma_start3A_23 : memref<256xi32, #tpu.memory_space<hbm>>) target(%arg9 : memref<256xi32, #tpu.memory_space<vmem>>) target_semaphore(%arg14 : memref<!tpu.dma_semaphore, #tpu.memory_space<semaphore_mem>>)
      %dma_start3A_24 = tpu.memref_slice %arg4[%add3A_22] : memref<425984xf32, #tpu.memory_space<hbm>> -> memref<256xf32, #tpu.memory_space<hbm>>
      %dma_start3A_25 = tpu.memref_slice %arg4[%add3A_22] : memref<425984xf32, #tpu.memory_space<hbm>> -> memref<256xf32, #tpu.memory_space<hbm>>
      tpu.enqueue_dma source(%dma_start3A_25 : memref<256xf32, #tpu.memory_space<hbm>>) target(%arg10 : memref<256xf32, #tpu.memory_space<vmem>>) target_semaphore(%arg15 : memref<!tpu.dma_semaphore, #tpu.memory_space<semaphore_mem>>)
      %jit3A = arith.constant 32 : i32
      %div3A = arith.divsi %add3A_22, %jit3A : i32
      %sign3A = arith.constant 0 : i32
      %sign3A_26 = arith.cmpi sgt, %add3A_22, %sign3A : i32
      %sign3A_27 = arith.extui %sign3A_26 : i1 to i32
      %sign3A_28 = arith.constant 0 : i32
      %sign3A_29 = arith.cmpi slt, %add3A_22, %sign3A_28 : i32
      %sign3A_30 = arith.extui %sign3A_29 : i1 to i32
      %sign3A_31 = arith.subi %sign3A_27, %sign3A_30 : i32
      %sign3A_32 = arith.constant 0 : i32
      %sign3A_33 = arith.cmpi sgt, %jit3A, %sign3A_32 : i32
      %sign3A_34 = arith.extui %sign3A_33 : i1 to i32
      %sign3A_35 = arith.constant 0 : i32
      %sign3A_36 = arith.cmpi slt, %jit3A, %sign3A_35 : i32
      %sign3A_37 = arith.extui %sign3A_36 : i1 to i32
      %sign3A_38 = arith.subi %sign3A_34, %sign3A_37 : i32
      %ne3A = arith.cmpi ne, %sign3A_31, %sign3A_38 : i32
      %rem3A = arith.remsi %add3A_22, %jit3A : i32
      %ne3A_39 = arith.constant 0 : i32
      %ne3A_40 = arith.cmpi ne, %rem3A, %ne3A_39 : i32
      %and3A = arith.andi %ne3A, %ne3A_40 : i1
      %sub3A = arith.constant 1 : i32
      %sub3A_41 = arith.subi %div3A, %sub3A : i32
      %select_n3A = arith.select %and3A, %sub3A_41, %div3A : i32
      %multiple_of3A = tpu.assume_multiple %select_n3A, 8 : i32
      %dma_start3A_42 = arith.constant 0 : i32
      %dma_start3A_43 = tpu.memref_slice %arg2[%multiple_of3A, %dma_start3A_42] : memref<13312x32xi32, #tpu.memory_space<hbm>> -> memref<8x32xi32, #tpu.memory_space<hbm>>
      %dma_start3A_44 = arith.constant 0 : i32
      %dma_start3A_45 = tpu.memref_slice %arg2[%multiple_of3A, %dma_start3A_44] : memref<13312x32xi32, #tpu.memory_space<hbm>> -> memref<8x32xi32, #tpu.memory_space<hbm>>
      tpu.enqueue_dma source(%dma_start3A_45 : memref<8x32xi32, #tpu.memory_space<hbm>>) target(%arg11 : memref<8x32xi32, #tpu.memory_space<vmem>>) target_semaphore(%arg16 : memref<!tpu.dma_semaphore, #tpu.memory_space<semaphore_mem>>)
      %dma_wait3A = tpu.memref_slice %arg3[%add3A_22] : memref<425984xi32, #tpu.memory_space<hbm>> -> memref<256xi32, #tpu.memory_space<hbm>>
      %dma_wait3A_46 = tpu.memref_slice %arg3[%add3A_22] : memref<425984xi32, #tpu.memory_space<hbm>> -> memref<256xi32, #tpu.memory_space<hbm>>
      tpu.wait_dma2 semaphore(%arg14 : memref<!tpu.dma_semaphore, #tpu.memory_space<semaphore_mem>>) src(%dma_wait3A_46 : memref<256xi32, #tpu.memory_space<hbm>>) dst(%arg9 : memref<256xi32, #tpu.memory_space<vmem>>)
      %dma_wait3A_47 = tpu.memref_slice %arg4[%add3A_22] : memref<425984xf32, #tpu.memory_space<hbm>> -> memref<256xf32, #tpu.memory_space<hbm>>
      %dma_wait3A_48 = tpu.memref_slice %arg4[%add3A_22] : memref<425984xf32, #tpu.memory_space<hbm>> -> memref<256xf32, #tpu.memory_space<hbm>>
      tpu.wait_dma2 semaphore(%arg15 : memref<!tpu.dma_semaphore, #tpu.memory_space<semaphore_mem>>) src(%dma_wait3A_48 : memref<256xf32, #tpu.memory_space<hbm>>) dst(%arg10 : memref<256xf32, #tpu.memory_space<vmem>>)
      %scan3A_49 = arith.constant 0 : i32
      %scan3A_50 = arith.constant 0 : i32
      %scan3A_51 = arith.constant 16 : i32
      %scan3A_52 = arith.addi %scan3A_50, %scan3A_51 : i32
      %scan3A_53 = arith.constant 1 : i32
      %scan3A_54 = scf.for %scan3A_68 = %scan3A_50 to %scan3A_52 step %scan3A_53 iter_args(%scan3A_69 = %scan3A_49) -> (i32)  : i32 {
        %mul3A_70 = arith.constant 16 : i32
        %mul3A_71 = arith.muli %scan3A_68, %mul3A_70 : i32
        %get3A = arith.index_cast %mul3A_71 : i32 to index
        %get3A_72 = tpu.vector_load %arg9[%get3A] {strides = array<i32>} : memref<256xi32, #tpu.memory_space<vmem>>, vector<16xi32>,
        %get3A_73 = vector.shape_cast %get3A_72 : vector<16xi32> to vector<16xi32>
        %mul3A_74 = arith.constant 64 : i32
        %mul3A_75 = vector.broadcast %mul3A_74 : i32 to vector<16xi32>
        %mul3A_76 = arith.muli %get3A_73, %mul3A_75 : vector<16xi32>
        %mul3A_77 = arith.constant 16 : i32
        %mul3A_78 = arith.muli %scan3A_68, %mul3A_77 : i32
        %get3A_79 = arith.index_cast %mul3A_78 : i32 to index
        %get3A_80 = tpu.vector_load %arg10[%get3A_79] {strides = array<i32>} : memref<256xf32, #tpu.memory_space<vmem>>, vector<16xf32>,
        %get3A_81 = vector.shape_cast %get3A_80 : vector<16xf32> to vector<16xf32>
        %slice3A = vector.extract_strided_slice %mul3A_76 {offsets = [0], sizes = [1], strides = [1]} : vector<16xi32> to vector<1xi32>
        %squeeze3A = vector.extract %slice3A[0] : i32 from vector<1xi32>
        %slice3A_82 = vector.extract_strided_slice %get3A_81 {offsets = [0], sizes = [1], strides = [1]} : vector<16xf32> to vector<1xf32>
        %squeeze3A_83 = vector.extract %slice3A_82[0] : f32 from vector<1xf32>
        %mul3A_84 = arith.constant 16 : i32
        %mul3A_85 = arith.muli %scan3A_68, %mul3A_84 : i32
        %add3A_86 = arith.constant 0 : i32
        %add3A_87 = arith.addi %mul3A_85, %add3A_86 : i32
        %add3A_88 = arith.constant 0 : i32
        %add3A_89 = arith.addi %squeeze3A, %add3A_88 : i32
        %get3A_90 = arith.index_cast %add3A_89 : i32 to index
        %get3A_91 = tpu.vector_load %arg8[%get3A_90] {strides = array<i32>} : memref<32768xf32, #tpu.memory_space<vmem>>, vector<16xf32>,
        %get3A_92 = vector.shape_cast %get3A_91 : vector<16xf32> to vector<16xf32>
        %mul3A_93 = vector.broadcast %squeeze3A_83 : f32 to vector<16xf32>
        %mul3A_94 = arith.mulf %get3A_92, %mul3A_93 : vector<16xf32>
        %swap3A = arith.index_cast %add3A_87 : i32 to index
        %swap3A_95 = arith.constant 0 : index
        %swap3A_96 = tpu.vector_load %arg12[%swap3A, %swap3A_95] {strides = array<i32>} : memref<256x64xf32, #tpu.memory_space<vmem>>, vector<1x16xf32>,
        %swap3A_97 = vector.shape_cast %swap3A_96 : vector<1x16xf32> to vector<16xf32>
        %swap3A_98 = vector.shape_cast %mul3A_94 : vector<16xf32> to vector<1x16xf32>
        tpu.vector_store %arg12[%swap3A, %swap3A_95], %swap3A_98 {strides = array<i32>} : memref<256x64xf32, #tpu.memory_space<vmem>>, vector<1x16xf32>,
        %add3A_99 = arith.constant 16 : i32
        %add3A_100 = arith.addi %squeeze3A, %add3A_99 : i32
        %get3A_101 = arith.index_cast %add3A_100 : i32 to index
        %get3A_102 = tpu.vector_load %arg8[%get3A_101] {strides = array<i32>} : memref<32768xf32, #tpu.memory_space<vmem>>, vector<16xf32>,
        %get3A_103 = vector.shape_cast %get3A_102 : vector<16xf32> to vector<16xf32>
        %mul3A_104 = vector.broadcast %squeeze3A_83 : f32 to vector<16xf32>
        %mul3A_105 = arith.mulf %get3A_103, %mul3A_104 : vector<16xf32>
        %swap3A_106 = arith.index_cast %add3A_87 : i32 to index
        %swap3A_107 = arith.constant 16 : index
        %swap3A_108 = tpu.vector_load %arg12[%swap3A_106, %swap3A_107] {strides = array<i32>} : memref<256x64xf32, #tpu.memory_space<vmem>>, vector<1x16xf32>,
        %swap3A_109 = vector.shape_cast %swap3A_108 : vector<1x16xf32> to vector<16xf32>
        %swap3A_110 = vector.shape_cast %mul3A_105 : vector<16xf32> to vector<1x16xf32>
        tpu.vector_store %arg12[%swap3A_106, %swap3A_107], %swap3A_110 {strides = array<i32>} : memref<256x64xf32, #tpu.memory_space<vmem>>, vector<1x16xf32>,
        %add3A_111 = arith.constant 32 : i32
        %add3A_112 = arith.addi %squeeze3A, %add3A_111 : i32
        %get3A_113 = arith.index_cast %add3A_112 : i32 to index
        %get3A_114 = tpu.vector_load %arg8[%get3A_113] {strides = array<i32>} : memref<32768xf32, #tpu.memory_space<vmem>>, vector<16xf32>,
        %get3A_115 = vector.shape_cast %get3A_114 : vector<16xf32> to vector<16xf32>
        %mul3A_116 = vector.broadcast %squeeze3A_83 : f32 to vector<16xf32>
        %mul3A_117 = arith.mulf %get3A_115, %mul3A_116 : vector<16xf32>
        %swap3A_118 = arith.index_cast %add3A_87 : i32 to index
        %swap3A_119 = arith.constant 32 : index
        %swap3A_120 = tpu.vector_load %arg12[%swap3A_118, %swap3A_119] {strides = array<i32>} : memref<256x64xf32, #tpu.memory_space<vmem>>, vector<1x16xf32>,
        %swap3A_121 = vector.shape_cast %swap3A_120 : vector<1x16xf32> to vector<16xf32>
        %swap3A_122 = vector.shape_cast %mul3A_117 : vector<16xf32> to vector<1x16xf32>
        tpu.vector_store %arg12[%swap3A_118, %swap3A_119], %swap3A_122 {strides = array<i32>} : memref<256x64xf32, #tpu.memory_space<vmem>>, vector<1x16xf32>,
        %add3A_123 = arith.constant 48 : i32
        %add3A_124 = arith.addi %squeeze3A, %add3A_123 : i32
        %get3A_125 = arith.index_cast %add3A_124 : i32 to index
        %get3A_126 = tpu.vector_load %arg8[%get3A_125] {strides = array<i32>} : memref<32768xf32, #tpu.memory_space<vmem>>, vector<16xf32>,
        %get3A_127 = vector.shape_cast %get3A_126 : vector<16xf32> to vector<16xf32>
        %mul3A_128 = vector.broadcast %squeeze3A_83 : f32 to vector<16xf32>
        %mul3A_129 = arith.mulf %get3A_127, %mul3A_128 : vector<16xf32>
        %swap3A_130 = arith.index_cast %add3A_87 : i32 to index
        %swap3A_131 = arith.constant 48 : index
        %swap3A_132 = tpu.vector_load %arg12[%swap3A_130, %swap3A_131] {strides = array<i32>} : memref<256x64xf32, #tpu.memory_space<vmem>>, vector<1x16xf32>,
        %swap3A_133 = vector.shape_cast %swap3A_132 : vector<1x16xf32> to vector<16xf32>
        %swap3A_134 = vector.shape_cast %mul3A_129 : vector<16xf32> to vector<1x16xf32>
        tpu.vector_store %arg12[%swap3A_130, %swap3A_131], %swap3A_134 {strides = array<i32>} : memref<256x64xf32, #tpu.memory_space<vmem>>, vector<1x16xf32>,
        %slice3A_135 = vector.extract_strided_slice %mul3A_76 {offsets = [1], sizes = [1], strides = [1]} : vector<16xi32> to vector<1xi32>
        %squeeze3A_136 = vector.extract %slice3A_135[0] : i32 from vector<1xi32>
        %slice3A_137 = vector.extract_strided_slice %get3A_81 {offsets = [1], sizes = [1], strides = [1]} : vector<16xf32> to vector<1xf32>
        %squeeze3A_138 = vector.extract %slice3A_137[0] : f32 from vector<1xf32>
        %mul3A_139 = arith.constant 16 : i32
        %mul3A_140 = arith.muli %scan3A_68, %mul3A_139 : i32
        %add3A_141 = arith.constant 1 : i32
        %add3A_142 = arith.addi %mul3A_140, %add3A_141 : i32
        %add3A_143 = arith.constant 0 : i32
        %add3A_144 = arith.addi %squeeze3A_136, %add3A_143 : i32
        %get3A_145 = arith.index_cast %add3A_144 : i32 to index
        %get3A_146 = tpu.vector_load %arg8[%get3A_145] {strides = array<i32>} : memref<32768xf32, #tpu.memory_space<vmem>>, vector<16xf32>,
        %get3A_147 = vector.shape_cast %get3A_146 : vector<16xf32> to vector<16xf32>
        %mul3A_148 = vector.broadcast %squeeze3A_138 : f32 to vector<16xf32>
        %mul3A_149 = arith.mulf %get3A_147, %mul3A_148 : vector<16xf32>
        %swap3A_150 = arith.index_cast %add3A_142 : i32 to index
        %swap3A_151 = arith.constant 0 : index
        %swap3A_152 = tpu.vector_load %arg12[%swap3A_150, %swap3A_151] {strides = array<i32>} : memref<256x64xf32, #tpu.memory_space<vmem>>, vector<1x16xf32>,
        %swap3A_153 = vector.shape_cast %swap3A_152 : vector<1x16xf32> to vector<16xf32>
        %swap3A_154 = vector.shape_cast %mul3A_149 : vector<16xf32> to vector<1x16xf32>
        tpu.vector_store %arg12[%swap3A_150, %swap3A_151], %swap3A_154 {strides = array<i32>} : memref<256x64xf32, #tpu.memory_space<vmem>>, vector<1x16xf32>,
        %add3A_155 = arith.constant 16 : i32
        %add3A_156 = arith.addi %squeeze3A_136, %add3A_155 : i32
        %get3A_157 = arith.index_cast %add3A_156 : i32 to index
        %get3A_158 = tpu.vector_load %arg8[%get3A_157] {strides = array<i32>} : memref<32768xf32, #tpu.memory_space<vmem>>, vector<16xf32>,
        %get3A_159 = vector.shape_cast %get3A_158 : vector<16xf32> to vector<16xf32>
        %mul3A_160 = vector.broadcast %squeeze3A_138 : f32 to vector<16xf32>
        %mul3A_161 = arith.mulf %get3A_159, %mul3A_160 : vector<16xf32>
        %swap3A_162 = arith.index_cast %add3A_142 : i32 to index
        %swap3A_163 = arith.constant 16 : index
        %swap3A_164 = tpu.vector_load %arg12[%swap3A_162, %swap3A_163] {strides = array<i32>} : memref<256x64xf32, #tpu.memory_space<vmem>>, vector<1x16xf32>,
        %swap3A_165 = vector.shape_cast %swap3A_164 : vector<1x16xf32> to vector<16xf32>
        %swap3A_166 = vector.shape_cast %mul3A_161 : vector<16xf32> to vector<1x16xf32>
        tpu.vector_store %arg12[%swap3A_162, %swap3A_163], %swap3A_166 {strides = array<i32>} : memref<256x64xf32, #tpu.memory_space<vmem>>, vector<1x16xf32>,
        %add3A_167 = arith.constant 32 : i32
        %add3A_168 = arith.addi %squeeze3A_136, %add3A_167 : i32
        %get3A_169 = arith.index_cast %add3A_168 : i32 to index
        %get3A_170 = tpu.vector_load %arg8[%get3A_169] {strides = array<i32>} : memref<32768xf32, #tpu.memory_space<vmem>>, vector<16xf32>,
        %get3A_171 = vector.shape_cast %get3A_170 : vector<16xf32> to vector<16xf32>
        %mul3A_172 = vector.broadcast %squeeze3A_138 : f32 to vector<16xf32>
        %mul3A_173 = arith.mulf %get3A_171, %mul3A_172 : vector<16xf32>
        %swap3A_174 = arith.index_cast %add3A_142 : i32 to index
        %swap3A_175 = arith.constant 32 : index
        %swap3A_176 = tpu.vector_load %arg12[%swap3A_174, %swap3A_175] {strides = array<i32>} : memref<256x64xf32, #tpu.memory_space<vmem>>, vector<1x16xf32>,
        %swap3A_177 = vector.shape_cast %swap3A_176 : vector<1x16xf32> to vector<16xf32>
        %swap3A_178 = vector.shape_cast %mul3A_173 : vector<16xf32> to vector<1x16xf32>
        tpu.vector_store %arg12[%swap3A_174, %swap3A_175], %swap3A_178 {strides = array<i32>} : memref<256x64xf32, #tpu.memory_space<vmem>>, vector<1x16xf32>,
        %add3A_179 = arith.constant 48 : i32
        %add3A_180 = arith.addi %squeeze3A_136, %add3A_179 : i32
        %get3A_181 = arith.index_cast %add3A_180 : i32 to index
        %get3A_182 = tpu.vector_load %arg8[%get3A_181] {strides = array<i32>} : memref<32768xf32, #tpu.memory_space<vmem>>, vector<16xf32>,
        %get3A_183 = vector.shape_cast %get3A_182 : vector<16xf32> to vector<16xf32>
        %mul3A_184 = vector.broadcast %squeeze3A_138 : f32 to vector<16xf32>
        %mul3A_185 = arith.mulf %get3A_183, %mul3A_184 : vector<16xf32>
        %swap3A_186 = arith.index_cast %add3A_142 : i32 to index
        %swap3A_187 = arith.constant 48 : index
        %swap3A_188 = tpu.vector_load %arg12[%swap3A_186, %swap3A_187] {strides = array<i32>} : memref<256x64xf32, #tpu.memory_space<vmem>>, vector<1x16xf32>,
        %swap3A_189 = vector.shape_cast %swap3A_188 : vector<1x16xf32> to vector<16xf32>
        %swap3A_190 = vector.shape_cast %mul3A_185 : vector<16xf32> to vector<1x16xf32>
        tpu.vector_store %arg12[%swap3A_186, %swap3A_187], %swap3A_190 {strides = array<i32>} : memref<256x64xf32, #tpu.memory_space<vmem>>, vector<1x16xf32>,
        %slice3A_191 = vector.extract_strided_slice %mul3A_76 {offsets = [2], sizes = [1], strides = [1]} : vector<16xi32> to vector<1xi32>
        %squeeze3A_192 = vector.extract %slice3A_191[0] : i32 from vector<1xi32>
        %slice3A_193 = vector.extract_strided_slice %get3A_81 {offsets = [2], sizes = [1], strides = [1]} : vector<16xf32> to vector<1xf32>
        %squeeze3A_194 = vector.extract %slice3A_193[0] : f32 from vector<1xf32>
        %mul3A_195 = arith.constant 16 : i32
        %mul3A_196 = arith.muli %scan3A_68, %mul3A_195 : i32
        %add3A_197 = arith.constant 2 : i32
        %add3A_198 = arith.addi %mul3A_196, %add3A_197 : i32
        %add3A_199 = arith.constant 0 : i32
        %add3A_200 = arith.addi %squeeze3A_192, %add3A_199 : i32
        %get3A_201 = arith.index_cast %add3A_200 : i32 to index
        %get3A_202 = tpu.vector_load %arg8[%get3A_201] {strides = array<i32>} : memref<32768xf32, #tpu.memory_space<vmem>>, vector<16xf32>,
        %get3A_203 = vector.shape_cast %get3A_202 : vector<16xf32> to vector<16xf32>
        %mul3A_204 = vector.broadcast %squeeze3A_194 : f32 to vector<16xf32>
        %mul3A_205 = arith.mulf %get3A_203, %mul3A_204 : vector<16xf32>
        %swap3A_206 = arith.index_cast %add3A_198 : i32 to index
        %swap3A_207 = arith.constant 0 : index
        %swap3A_208 = tpu.vector_load %arg12[%swap3A_206, %swap3A_207] {strides = array<i32>} : memref<256x64xf32, #tpu.memory_space<vmem>>, vector<1x16xf32>,
        %swap3A_209 = vector.shape_cast %swap3A_208 : vector<1x16xf32> to vector<16xf32>
        %swap3A_210 = vector.shape_cast %mul3A_205 : vector<16xf32> to vector<1x16xf32>
        tpu.vector_store %arg12[%swap3A_206, %swap3A_207], %swap3A_210 {strides = array<i32>} : memref<256x64xf32, #tpu.memory_space<vmem>>, vector<1x16xf32>,
        %add3A_211 = arith.constant 16 : i32
        %add3A_212 = arith.addi %squeeze3A_192, %add3A_211 : i32
        %get3A_213 = arith.index_cast %add3A_212 : i32 to index
        %get3A_214 = tpu.vector_load %arg8[%get3A_213] {strides = array<i32>} : memref<32768xf32, #tpu.memory_space<vmem>>, vector<16xf32>,
        %get3A_215 = vector.shape_cast %get3A_214 : vector<16xf32> to vector<16xf32>
        %mul3A_216 = vector.broadcast %squeeze3A_194 : f32 to vector<16xf32>
        %mul3A_217 = arith.mulf %get3A_215, %mul3A_216 : vector<16xf32>
        %swap3A_218 = arith.index_cast %add3A_198 : i32 to index
        %swap3A_219 = arith.constant 16 : index
        %swap3A_220 = tpu.vector_load %arg12[%swap3A_218, %swap3A_219] {strides = array<i32>} : memref<256x64xf32, #tpu.memory_space<vmem>>, vector<1x16xf32>,
        %swap3A_221 = vector.shape_cast %swap3A_220 : vector<1x16xf32> to vector<16xf32>
        %swap3A_222 = vector.shape_cast %mul3A_217 : vector<16xf32> to vector<1x16xf32>
        tpu.vector_store %arg12[%swap3A_218, %swap3A_219], %swap3A_222 {strides = array<i32>} : memref<256x64xf32, #tpu.memory_space<vmem>>, vector<1x16xf32>,
        %add3A_223 = arith.constant 32 : i32
        %add3A_224 = arith.addi %squeeze3A_192, %add3A_223 : i32
        %get3A_225 = arith.index_cast %add3A_224 : i32 to index
        %get3A_226 = tpu.vector_load %arg8[%get3A_225] {strides = array<i32>} : memref<32768xf32, #tpu.memory_space<vmem>>, vector<16xf32>,
        %get3A_227 = vector.shape_cast %get3A_226 : vector<16xf32> to vector<16xf32>
        %mul3A_228 = vector.broadcast %squeeze3A_194 : f32 to vector<16xf32>
        %mul3A_229 = arith.mulf %get3A_227, %mul3A_228 : vector<16xf32>
        %swap3A_230 = arith.index_cast %add3A_198 : i32 to index
        %swap3A_231 = arith.constant 32 : index
        %swap3A_232 = tpu.vector_load %arg12[%swap3A_230, %swap3A_231] {strides = array<i32>} : memref<256x64xf32, #tpu.memory_space<vmem>>, vector<1x16xf32>,
        %swap3A_233 = vector.shape_cast %swap3A_232 : vector<1x16xf32> to vector<16xf32>
        %swap3A_234 = vector.shape_cast %mul3A_229 : vector<16xf32> to vector<1x16xf32>
        tpu.vector_store %arg12[%swap3A_230, %swap3A_231], %swap3A_234 {strides = array<i32>} : memref<256x64xf32, #tpu.memory_space<vmem>>, vector<1x16xf32>,
        %add3A_235 = arith.constant 48 : i32
        %add3A_236 = arith.addi %squeeze3A_192, %add3A_235 : i32
        %get3A_237 = arith.index_cast %add3A_236 : i32 to index
        %get3A_238 = tpu.vector_load %arg8[%get3A_237] {strides = array<i32>} : memref<32768xf32, #tpu.memory_space<vmem>>, vector<16xf32>,
        %get3A_239 = vector.shape_cast %get3A_238 : vector<16xf32> to vector<16xf32>
        %mul3A_240 = vector.broadcast %squeeze3A_194 : f32 to vector<16xf32>
        %mul3A_241 = arith.mulf %get3A_239, %mul3A_240 : vector<16xf32>
        %swap3A_242 = arith.index_cast %add3A_198 : i32 to index
        %swap3A_243 = arith.constant 48 : index
        %swap3A_244 = tpu.vector_load %arg12[%swap3A_242, %swap3A_243] {strides = array<i32>} : memref<256x64xf32, #tpu.memory_space<vmem>>, vector<1x16xf32>,
        %swap3A_245 = vector.shape_cast %swap3A_244 : vector<1x16xf32> to vector<16xf32>
        %swap3A_246 = vector.shape_cast %mul3A_241 : vector<16xf32> to vector<1x16xf32>
        tpu.vector_store %arg12[%swap3A_242, %swap3A_243], %swap3A_246 {strides = array<i32>} : memref<256x64xf32, #tpu.memory_space<vmem>>, vector<1x16xf32>,
        %slice3A_247 = vector.extract_strided_slice %mul3A_76 {offsets = [3], sizes = [1], strides = [1]} : vector<16xi32> to vector<1xi32>
        %squeeze3A_248 = vector.extract %slice3A_247[0] : i32 from vector<1xi32>
        %slice3A_249 = vector.extract_strided_slice %get3A_81 {offsets = [3], sizes = [1], strides = [1]} : vector<16xf32> to vector<1xf32>
        %squeeze3A_250 = vector.extract %slice3A_249[0] : f32 from vector<1xf32>
        %mul3A_251 = arith.constant 16 : i32
        %mul3A_252 = arith.muli %scan3A_68, %mul3A_251 : i32
        %add3A_253 = arith.constant 3 : i32
        %add3A_254 = arith.addi %mul3A_252, %add3A_253 : i32
        %add3A_255 = arith.constant 0 : i32
        %add3A_256 = arith.addi %squeeze3A_248, %add3A_255 : i32
        %get3A_257 = arith.index_cast %add3A_256 : i32 to index
        %get3A_258 = tpu.vector_load %arg8[%get3A_257] {strides = array<i32>} : memref<32768xf32, #tpu.memory_space<vmem>>, vector<16xf32>,
        %get3A_259 = vector.shape_cast %get3A_258 : vector<16xf32> to vector<16xf32>
        %mul3A_260 = vector.broadcast %squeeze3A_250 : f32 to vector<16xf32>
        %mul3A_261 = arith.mulf %get3A_259, %mul3A_260 : vector<16xf32>
        %swap3A_262 = arith.index_cast %add3A_254 : i32 to index
        %swap3A_263 = arith.constant 0 : index
        %swap3A_264 = tpu.vector_load %arg12[%swap3A_262, %swap3A_263] {strides = array<i32>} : memref<256x64xf32, #tpu.memory_space<vmem>>, vector<1x16xf32>,
        %swap3A_265 = vector.shape_cast %swap3A_264 : vector<1x16xf32> to vector<16xf32>
        %swap3A_266 = vector.shape_cast %mul3A_261 : vector<16xf32> to vector<1x16xf32>
        tpu.vector_store %arg12[%swap3A_262, %swap3A_263], %swap3A_266 {strides = array<i32>} : memref<256x64xf32, #tpu.memory_space<vmem>>, vector<1x16xf32>,
        %add3A_267 = arith.constant 16 : i32
        %add3A_268 = arith.addi %squeeze3A_248, %add3A_267 : i32
        %get3A_269 = arith.index_cast %add3A_268 : i32 to index
        %get3A_270 = tpu.vector_load %arg8[%get3A_269] {strides = array<i32>} : memref<32768xf32, #tpu.memory_space<vmem>>, vector<16xf32>,
        %get3A_271 = vector.shape_cast %get3A_270 : vector<16xf32> to vector<16xf32>
        %mul3A_272 = vector.broadcast %squeeze3A_250 : f32 to vector<16xf32>
        %mul3A_273 = arith.mulf %get3A_271, %mul3A_272 : vector<16xf32>
        %swap3A_274 = arith.index_cast %add3A_254 : i32 to index
        %swap3A_275 = arith.constant 16 : index
        %swap3A_276 = tpu.vector_load %arg12[%swap3A_274, %swap3A_275] {strides = array<i32>} : memref<256x64xf32, #tpu.memory_space<vmem>>, vector<1x16xf32>,
        %swap3A_277 = vector.shape_cast %swap3A_276 : vector<1x16xf32> to vector<16xf32>
        %swap3A_278 = vector.shape_cast %mul3A_273 : vector<16xf32> to vector<1x16xf32>
        tpu.vector_store %arg12[%swap3A_274, %swap3A_275], %swap3A_278 {strides = array<i32>} : memref<256x64xf32, #tpu.memory_space<vmem>>, vector<1x16xf32>,
        %add3A_279 = arith.constant 32 : i32
        %add3A_280 = arith.addi %squeeze3A_248, %add3A_279 : i32
        %get3A_281 = arith.index_cast %add3A_280 : i32 to index
        %get3A_282 = tpu.vector_load %arg8[%get3A_281] {strides = array<i32>} : memref<32768xf32, #tpu.memory_space<vmem>>, vector<16xf32>,
        %get3A_283 = vector.shape_cast %get3A_282 : vector<16xf32> to vector<16xf32>
        %mul3A_284 = vector.broadcast %squeeze3A_250 : f32 to vector<16xf32>
        %mul3A_285 = arith.mulf %get3A_283, %mul3A_284 : vector<16xf32>
        %swap3A_286 = arith.index_cast %add3A_254 : i32 to index
        %swap3A_287 = arith.constant 32 : index
        %swap3A_288 = tpu.vector_load %arg12[%swap3A_286, %swap3A_287] {strides = array<i32>} : memref<256x64xf32, #tpu.memory_space<vmem>>, vector<1x16xf32>,
        %swap3A_289 = vector.shape_cast %swap3A_288 : vector<1x16xf32> to vector<16xf32>
        %swap3A_290 = vector.shape_cast %mul3A_285 : vector<16xf32> to vector<1x16xf32>
        tpu.vector_store %arg12[%swap3A_286, %swap3A_287], %swap3A_290 {strides = array<i32>} : memref<256x64xf32, #tpu.memory_space<vmem>>, vector<1x16xf32>,
        %add3A_291 = arith.constant 48 : i32
        %add3A_292 = arith.addi %squeeze3A_248, %add3A_291 : i32
        %get3A_293 = arith.index_cast %add3A_292 : i32 to index
        %get3A_294 = tpu.vector_load %arg8[%get3A_293] {strides = array<i32>} : memref<32768xf32, #tpu.memory_space<vmem>>, vector<16xf32>,
        %get3A_295 = vector.shape_cast %get3A_294 : vector<16xf32> to vector<16xf32>
        %mul3A_296 = vector.broadcast %squeeze3A_250 : f32 to vector<16xf32>
        %mul3A_297 = arith.mulf %get3A_295, %mul3A_296 : vector<16xf32>
        %swap3A_298 = arith.index_cast %add3A_254 : i32 to index
        %swap3A_299 = arith.constant 48 : index
        %swap3A_300 = tpu.vector_load %arg12[%swap3A_298, %swap3A_299] {strides = array<i32>} : memref<256x64xf32, #tpu.memory_space<vmem>>, vector<1x16xf32>,
        %swap3A_301 = vector.shape_cast %swap3A_300 : vector<1x16xf32> to vector<16xf32>
        %swap3A_302 = vector.shape_cast %mul3A_297 : vector<16xf32> to vector<1x16xf32>
        tpu.vector_store %arg12[%swap3A_298, %swap3A_299], %swap3A_302 {strides = array<i32>} : memref<256x64xf32, #tpu.memory_space<vmem>>, vector<1x16xf32>,
        %slice3A_303 = vector.extract_strided_slice %mul3A_76 {offsets = [4], sizes = [1], strides = [1]} : vector<16xi32> to vector<1xi32>
        %squeeze3A_304 = vector.extract %slice3A_303[0] : i32 from vector<1xi32>
        %slice3A_305 = vector.extract_strided_slice %get3A_81 {offsets = [4], sizes = [1], strides = [1]} : vector<16xf32> to vector<1xf32>
        %squeeze3A_306 = vector.extract %slice3A_305[0] : f32 from vector<1xf32>
        %mul3A_307 = arith.constant 16 : i32
        %mul3A_308 = arith.muli %scan3A_68, %mul3A_307 : i32
        %add3A_309 = arith.constant 4 : i32
        %add3A_310 = arith.addi %mul3A_308, %add3A_309 : i32
        %add3A_311 = arith.constant 0 : i32
        %add3A_312 = arith.addi %squeeze3A_304, %add3A_311 : i32
        %get3A_313 = arith.index_cast %add3A_312 : i32 to index
        %get3A_314 = tpu.vector_load %arg8[%get3A_313] {strides = array<i32>} : memref<32768xf32, #tpu.memory_space<vmem>>, vector<16xf32>,
        %get3A_315 = vector.shape_cast %get3A_314 : vector<16xf32> to vector<16xf32>
        %mul3A_316 = vector.broadcast %squeeze3A_306 : f32 to vector<16xf32>
        %mul3A_317 = arith.mulf %get3A_315, %mul3A_316 : vector<16xf32>
        %swap3A_318 = arith.index_cast %add3A_310 : i32 to index
        %swap3A_319 = arith.constant 0 : index
        %swap3A_320 = tpu.vector_load %arg12[%swap3A_318, %swap3A_319] {strides = array<i32>} : memref<256x64xf32, #tpu.memory_space<vmem>>, vector<1x16xf32>,
        %swap3A_321 = vector.shape_cast %swap3A_320 : vector<1x16xf32> to vector<16xf32>
        %swap3A_322 = vector.shape_cast %mul3A_317 : vector<16xf32> to vector<1x16xf32>
        tpu.vector_store %arg12[%swap3A_318, %swap3A_319], %swap3A_322 {strides = array<i32>} : memref<256x64xf32, #tpu.memory_space<vmem>>, vector<1x16xf32>,
        %add3A_323 = arith.constant 16 : i32
        %add3A_324 = arith.addi %squeeze3A_304, %add3A_323 : i32
        %get3A_325 = arith.index_cast %add3A_324 : i32 to index
        %get3A_326 = tpu.vector_load %arg8[%get3A_325] {strides = array<i32>} : memref<32768xf32, #tpu.memory_space<vmem>>, vector<16xf32>,
        %get3A_327 = vector.shape_cast %get3A_326 : vector<16xf32> to vector<16xf32>
        %mul3A_328 = vector.broadcast %squeeze3A_306 : f32 to vector<16xf32>
        %mul3A_329 = arith.mulf %get3A_327, %mul3A_328 : vector<16xf32>
        %swap3A_330 = arith.index_cast %add3A_310 : i32 to index
        %swap3A_331 = arith.constant 16 : index
        %swap3A_332 = tpu.vector_load %arg12[%swap3A_330, %swap3A_331] {strides = array<i32>} : memref<256x64xf32, #tpu.memory_space<vmem>>, vector<1x16xf32>,
        %swap3A_333 = vector.shape_cast %swap3A_332 : vector<1x16xf32> to vector<16xf32>
        %swap3A_334 = vector.shape_cast %mul3A_329 : vector<16xf32> to vector<1x16xf32>
        tpu.vector_store %arg12[%swap3A_330, %swap3A_331], %swap3A_334 {strides = array<i32>} : memref<256x64xf32, #tpu.memory_space<vmem>>, vector<1x16xf32>,
        %add3A_335 = arith.constant 32 : i32
        %add3A_336 = arith.addi %squeeze3A_304, %add3A_335 : i32
        %get3A_337 = arith.index_cast %add3A_336 : i32 to index
        %get3A_338 = tpu.vector_load %arg8[%get3A_337] {strides = array<i32>} : memref<32768xf32, #tpu.memory_space<vmem>>, vector<16xf32>,
        %get3A_339 = vector.shape_cast %get3A_338 : vector<16xf32> to vector<16xf32>
        %mul3A_340 = vector.broadcast %squeeze3A_306 : f32 to vector<16xf32>
        %mul3A_341 = arith.mulf %get3A_339, %mul3A_340 : vector<16xf32>
        %swap3A_342 = arith.index_cast %add3A_310 : i32 to index
        %swap3A_343 = arith.constant 32 : index
        %swap3A_344 = tpu.vector_load %arg12[%swap3A_342, %swap3A_343] {strides = array<i32>} : memref<256x64xf32, #tpu.memory_space<vmem>>, vector<1x16xf32>,
        %swap3A_345 = vector.shape_cast %swap3A_344 : vector<1x16xf32> to vector<16xf32>
        %swap3A_346 = vector.shape_cast %mul3A_341 : vector<16xf32> to vector<1x16xf32>
        tpu.vector_store %arg12[%swap3A_342, %swap3A_343], %swap3A_346 {strides = array<i32>} : memref<256x64xf32, #tpu.memory_space<vmem>>, vector<1x16xf32>,
        %add3A_347 = arith.constant 48 : i32
        %add3A_348 = arith.addi %squeeze3A_304, %add3A_347 : i32
        %get3A_349 = arith.index_cast %add3A_348 : i32 to index
        %get3A_350 = tpu.vector_load %arg8[%get3A_349] {strides = array<i32>} : memref<32768xf32, #tpu.memory_space<vmem>>, vector<16xf32>,
        %get3A_351 = vector.shape_cast %get3A_350 : vector<16xf32> to vector<16xf32>
        %mul3A_352 = vector.broadcast %squeeze3A_306 : f32 to vector<16xf32>
        %mul3A_353 = arith.mulf %get3A_351, %mul3A_352 : vector<16xf32>
        %swap3A_354 = arith.index_cast %add3A_310 : i32 to index
        %swap3A_355 = arith.constant 48 : index
        %swap3A_356 = tpu.vector_load %arg12[%swap3A_354, %swap3A_355] {strides = array<i32>} : memref<256x64xf32, #tpu.memory_space<vmem>>, vector<1x16xf32>,
        %swap3A_357 = vector.shape_cast %swap3A_356 : vector<1x16xf32> to vector<16xf32>
        %swap3A_358 = vector.shape_cast %mul3A_353 : vector<16xf32> to vector<1x16xf32>
        tpu.vector_store %arg12[%swap3A_354, %swap3A_355], %swap3A_358 {strides = array<i32>} : memref<256x64xf32, #tpu.memory_space<vmem>>, vector<1x16xf32>,
        %slice3A_359 = vector.extract_strided_slice %mul3A_76 {offsets = [5], sizes = [1], strides = [1]} : vector<16xi32> to vector<1xi32>
        %squeeze3A_360 = vector.extract %slice3A_359[0] : i32 from vector<1xi32>
        %slice3A_361 = vector.extract_strided_slice %get3A_81 {offsets = [5], sizes = [1], strides = [1]} : vector<16xf32> to vector<1xf32>
        %squeeze3A_362 = vector.extract %slice3A_361[0] : f32 from vector<1xf32>
        %mul3A_363 = arith.constant 16 : i32
        %mul3A_364 = arith.muli %scan3A_68, %mul3A_363 : i32
        %add3A_365 = arith.constant 5 : i32
        %add3A_366 = arith.addi %mul3A_364, %add3A_365 : i32
        %add3A_367 = arith.constant 0 : i32
        %add3A_368 = arith.addi %squeeze3A_360, %add3A_367 : i32
        %get3A_369 = arith.index_cast %add3A_368 : i32 to index
        %get3A_370 = tpu.vector_load %arg8[%get3A_369] {strides = array<i32>} : memref<32768xf32, #tpu.memory_space<vmem>>, vector<16xf32>,
        %get3A_371 = vector.shape_cast %get3A_370 : vector<16xf32> to vector<16xf32>
        %mul3A_372 = vector.broadcast %squeeze3A_362 : f32 to vector<16xf32>
        %mul3A_373 = arith.mulf %get3A_371, %mul3A_372 : vector<16xf32>
        %swap3A_374 = arith.index_cast %add3A_366 : i32 to index
        %swap3A_375 = arith.constant 0 : index
        %swap3A_376 = tpu.vector_load %arg12[%swap3A_374, %swap3A_375] {strides = array<i32>} : memref<256x64xf32, #tpu.memory_space<vmem>>, vector<1x16xf32>,
        %swap3A_377 = vector.shape_cast %swap3A_376 : vector<1x16xf32> to vector<16xf32>
        %swap3A_378 = vector.shape_cast %mul3A_373 : vector<16xf32> to vector<1x16xf32>
        tpu.vector_store %arg12[%swap3A_374, %swap3A_375], %swap3A_378 {strides = array<i32>} : memref<256x64xf32, #tpu.memory_space<vmem>>, vector<1x16xf32>,
        %add3A_379 = arith.constant 16 : i32
        %add3A_380 = arith.addi %squeeze3A_360, %add3A_379 : i32
        %get3A_381 = arith.index_cast %add3A_380 : i32 to index
        %get3A_382 = tpu.vector_load %arg8[%get3A_381] {strides = array<i32>} : memref<32768xf32, #tpu.memory_space<vmem>>, vector<16xf32>,
        %get3A_383 = vector.shape_cast %get3A_382 : vector<16xf32> to vector<16xf32>
        %mul3A_384 = vector.broadcast %squeeze3A_362 : f32 to vector<16xf32>
        %mul3A_385 = arith.mulf %get3A_383, %mul3A_384 : vector<16xf32>
        %swap3A_386 = arith.index_cast %add3A_366 : i32 to index
        %swap3A_387 = arith.constant 16 : index
        %swap3A_388 = tpu.vector_load %arg12[%swap3A_386, %swap3A_387] {strides = array<i32>} : memref<256x64xf32, #tpu.memory_space<vmem>>, vector<1x16xf32>,
        %swap3A_389 = vector.shape_cast %swap3A_388 : vector<1x16xf32> to vector<16xf32>
        %swap3A_390 = vector.shape_cast %mul3A_385 : vector<16xf32> to vector<1x16xf32>
        tpu.vector_store %arg12[%swap3A_386, %swap3A_387], %swap3A_390 {strides = array<i32>} : memref<256x64xf32, #tpu.memory_space<vmem>>, vector<1x16xf32>,
        %add3A_391 = arith.constant 32 : i32
        %add3A_392 = arith.addi %squeeze3A_360, %add3A_391 : i32
        %get3A_393 = arith.index_cast %add3A_392 : i32 to index
        %get3A_394 = tpu.vector_load %arg8[%get3A_393] {strides = array<i32>} : memref<32768xf32, #tpu.memory_space<vmem>>, vector<16xf32>,
        %get3A_395 = vector.shape_cast %get3A_394 : vector<16xf32> to vector<16xf32>
        %mul3A_396 = vector.broadcast %squeeze3A_362 : f32 to vector<16xf32>
        %mul3A_397 = arith.mulf %get3A_395, %mul3A_396 : vector<16xf32>
        %swap3A_398 = arith.index_cast %add3A_366 : i32 to index
        %swap3A_399 = arith.constant 32 : index
        %swap3A_400 = tpu.vector_load %arg12[%swap3A_398, %swap3A_399] {strides = array<i32>} : memref<256x64xf32, #tpu.memory_space<vmem>>, vector<1x16xf32>,
        %swap3A_401 = vector.shape_cast %swap3A_400 : vector<1x16xf32> to vector<16xf32>
        %swap3A_402 = vector.shape_cast %mul3A_397 : vector<16xf32> to vector<1x16xf32>
        tpu.vector_store %arg12[%swap3A_398, %swap3A_399], %swap3A_402 {strides = array<i32>} : memref<256x64xf32, #tpu.memory_space<vmem>>, vector<1x16xf32>,
        %add3A_403 = arith.constant 48 : i32
        %add3A_404 = arith.addi %squeeze3A_360, %add3A_403 : i32
        %get3A_405 = arith.index_cast %add3A_404 : i32 to index
        %get3A_406 = tpu.vector_load %arg8[%get3A_405] {strides = array<i32>} : memref<32768xf32, #tpu.memory_space<vmem>>, vector<16xf32>,
        %get3A_407 = vector.shape_cast %get3A_406 : vector<16xf32> to vector<16xf32>
        %mul3A_408 = vector.broadcast %squeeze3A_362 : f32 to vector<16xf32>
        %mul3A_409 = arith.mulf %get3A_407, %mul3A_408 : vector<16xf32>
        %swap3A_410 = arith.index_cast %add3A_366 : i32 to index
        %swap3A_411 = arith.constant 48 : index
        %swap3A_412 = tpu.vector_load %arg12[%swap3A_410, %swap3A_411] {strides = array<i32>} : memref<256x64xf32, #tpu.memory_space<vmem>>, vector<1x16xf32>,
        %swap3A_413 = vector.shape_cast %swap3A_412 : vector<1x16xf32> to vector<16xf32>
        %swap3A_414 = vector.shape_cast %mul3A_409 : vector<16xf32> to vector<1x16xf32>
        tpu.vector_store %arg12[%swap3A_410, %swap3A_411], %swap3A_414 {strides = array<i32>} : memref<256x64xf32, #tpu.memory_space<vmem>>, vector<1x16xf32>,
        %slice3A_415 = vector.extract_strided_slice %mul3A_76 {offsets = [6], sizes = [1], strides = [1]} : vector<16xi32> to vector<1xi32>
        %squeeze3A_416 = vector.extract %slice3A_415[0] : i32 from vector<1xi32>
        %slice3A_417 = vector.extract_strided_slice %get3A_81 {offsets = [6], sizes = [1], strides = [1]} : vector<16xf32> to vector<1xf32>
        %squeeze3A_418 = vector.extract %slice3A_417[0] : f32 from vector<1xf32>
        %mul3A_419 = arith.constant 16 : i32
        %mul3A_420 = arith.muli %scan3A_68, %mul3A_419 : i32
        %add3A_421 = arith.constant 6 : i32
        %add3A_422 = arith.addi %mul3A_420, %add3A_421 : i32
        %add3A_423 = arith.constant 0 : i32
        %add3A_424 = arith.addi %squeeze3A_416, %add3A_423 : i32
        %get3A_425 = arith.index_cast %add3A_424 : i32 to index
        %get3A_426 = tpu.vector_load %arg8[%get3A_425] {strides = array<i32>} : memref<32768xf32, #tpu.memory_space<vmem>>, vector<16xf32>,
        %get3A_427 = vector.shape_cast %get3A_426 : vector<16xf32> to vector<16xf32>
        %mul3A_428 = vector.broadcast %squeeze3A_418 : f32 to vector<16xf32>
        %mul3A_429 = arith.mulf %get3A_427, %mul3A_428 : vector<16xf32>
        %swap3A_430 = arith.index_cast %add3A_422 : i32 to index
        %swap3A_431 = arith.constant 0 : index
        %swap3A_432 = tpu.vector_load %arg12[%swap3A_430, %swap3A_431] {strides = array<i32>} : memref<256x64xf32, #tpu.memory_space<vmem>>, vector<1x16xf32>,
        %swap3A_433 = vector.shape_cast %swap3A_432 : vector<1x16xf32> to vector<16xf32>
        %swap3A_434 = vector.shape_cast %mul3A_429 : vector<16xf32> to vector<1x16xf32>
        tpu.vector_store %arg12[%swap3A_430, %swap3A_431], %swap3A_434 {strides = array<i32>} : memref<256x64xf32, #tpu.memory_space<vmem>>, vector<1x16xf32>,
        %add3A_435 = arith.constant 16 : i32
        %add3A_436 = arith.addi %squeeze3A_416, %add3A_435 : i32
        %get3A_437 = arith.index_cast %add3A_436 : i32 to index
        %get3A_438 = tpu.vector_load %arg8[%get3A_437] {strides = array<i32>} : memref<32768xf32, #tpu.memory_space<vmem>>, vector<16xf32>,
        %get3A_439 = vector.shape_cast %get3A_438 : vector<16xf32> to vector<16xf32>
        %mul3A_440 = vector.broadcast %squeeze3A_418 : f32 to vector<16xf32>
        %mul3A_441 = arith.mulf %get3A_439, %mul3A_440 : vector<16xf32>
        %swap3A_442 = arith.index_cast %add3A_422 : i32 to index
        %swap3A_443 = arith.constant 16 : index
        %swap3A_444 = tpu.vector_load %arg12[%swap3A_442, %swap3A_443] {strides = array<i32>} : memref<256x64xf32, #tpu.memory_space<vmem>>, vector<1x16xf32>,
        %swap3A_445 = vector.shape_cast %swap3A_444 : vector<1x16xf32> to vector<16xf32>
        %swap3A_446 = vector.shape_cast %mul3A_441 : vector<16xf32> to vector<1x16xf32>
        tpu.vector_store %arg12[%swap3A_442, %swap3A_443], %swap3A_446 {strides = array<i32>} : memref<256x64xf32, #tpu.memory_space<vmem>>, vector<1x16xf32>,
        %add3A_447 = arith.constant 32 : i32
        %add3A_448 = arith.addi %squeeze3A_416, %add3A_447 : i32
        %get3A_449 = arith.index_cast %add3A_448 : i32 to index
        %get3A_450 = tpu.vector_load %arg8[%get3A_449] {strides = array<i32>} : memref<32768xf32, #tpu.memory_space<vmem>>, vector<16xf32>,
        %get3A_451 = vector.shape_cast %get3A_450 : vector<16xf32> to vector<16xf32>
        %mul3A_452 = vector.broadcast %squeeze3A_418 : f32 to vector<16xf32>
        %mul3A_453 = arith.mulf %get3A_451, %mul3A_452 : vector<16xf32>
        %swap3A_454 = arith.index_cast %add3A_422 : i32 to index
        %swap3A_455 = arith.constant 32 : index
        %swap3A_456 = tpu.vector_load %arg12[%swap3A_454, %swap3A_455] {strides = array<i32>} : memref<256x64xf32, #tpu.memory_space<vmem>>, vector<1x16xf32>,
        %swap3A_457 = vector.shape_cast %swap3A_456 : vector<1x16xf32> to vector<16xf32>
        %swap3A_458 = vector.shape_cast %mul3A_453 : vector<16xf32> to vector<1x16xf32>
        tpu.vector_store %arg12[%swap3A_454, %swap3A_455], %swap3A_458 {strides = array<i32>} : memref<256x64xf32, #tpu.memory_space<vmem>>, vector<1x16xf32>,
        %add3A_459 = arith.constant 48 : i32
        %add3A_460 = arith.addi %squeeze3A_416, %add3A_459 : i32
        %get3A_461 = arith.index_cast %add3A_460 : i32 to index
        %get3A_462 = tpu.vector_load %arg8[%get3A_461] {strides = array<i32>} : memref<32768xf32, #tpu.memory_space<vmem>>, vector<16xf32>,
        %get3A_463 = vector.shape_cast %get3A_462 : vector<16xf32> to vector<16xf32>
        %mul3A_464 = vector.broadcast %squeeze3A_418 : f32 to vector<16xf32>
        %mul3A_465 = arith.mulf %get3A_463, %mul3A_464 : vector<16xf32>
        %swap3A_466 = arith.index_cast %add3A_422 : i32 to index
        %swap3A_467 = arith.constant 48 : index
        %swap3A_468 = tpu.vector_load %arg12[%swap3A_466, %swap3A_467] {strides = array<i32>} : memref<256x64xf32, #tpu.memory_space<vmem>>, vector<1x16xf32>,
        %swap3A_469 = vector.shape_cast %swap3A_468 : vector<1x16xf32> to vector<16xf32>
        %swap3A_470 = vector.shape_cast %mul3A_465 : vector<16xf32> to vector<1x16xf32>
        tpu.vector_store %arg12[%swap3A_466, %swap3A_467], %swap3A_470 {strides = array<i32>} : memref<256x64xf32, #tpu.memory_space<vmem>>, vector<1x16xf32>,
        %slice3A_471 = vector.extract_strided_slice %mul3A_76 {offsets = [7], sizes = [1], strides = [1]} : vector<16xi32> to vector<1xi32>
        %squeeze3A_472 = vector.extract %slice3A_471[0] : i32 from vector<1xi32>
        %slice3A_473 = vector.extract_strided_slice %get3A_81 {offsets = [7], sizes = [1], strides = [1]} : vector<16xf32> to vector<1xf32>
        %squeeze3A_474 = vector.extract %slice3A_473[0] : f32 from vector<1xf32>
        %mul3A_475 = arith.constant 16 : i32
        %mul3A_476 = arith.muli %scan3A_68, %mul3A_475 : i32
        %add3A_477 = arith.constant 7 : i32
        %add3A_478 = arith.addi %mul3A_476, %add3A_477 : i32
        %add3A_479 = arith.constant 0 : i32
        %add3A_480 = arith.addi %squeeze3A_472, %add3A_479 : i32
        %get3A_481 = arith.index_cast %add3A_480 : i32 to index
        %get3A_482 = tpu.vector_load %arg8[%get3A_481] {strides = array<i32>} : memref<32768xf32, #tpu.memory_space<vmem>>, vector<16xf32>,
        %get3A_483 = vector.shape_cast %get3A_482 : vector<16xf32> to vector<16xf32>
        %mul3A_484 = vector.broadcast %squeeze3A_474 : f32 to vector<16xf32>
        %mul3A_485 = arith.mulf %get3A_483, %mul3A_484 : vector<16xf32>
        %swap3A_486 = arith.index_cast %add3A_478 : i32 to index
        %swap3A_487 = arith.constant 0 : index
        %swap3A_488 = tpu.vector_load %arg12[%swap3A_486, %swap3A_487] {strides = array<i32>} : memref<256x64xf32, #tpu.memory_space<vmem>>, vector<1x16xf32>,
        %swap3A_489 = vector.shape_cast %swap3A_488 : vector<1x16xf32> to vector<16xf32>
        %swap3A_490 = vector.shape_cast %mul3A_485 : vector<16xf32> to vector<1x16xf32>
        tpu.vector_store %arg12[%swap3A_486, %swap3A_487], %swap3A_490 {strides = array<i32>} : memref<256x64xf32, #tpu.memory_space<vmem>>, vector<1x16xf32>,
        %add3A_491 = arith.constant 16 : i32
        %add3A_492 = arith.addi %squeeze3A_472, %add3A_491 : i32
        %get3A_493 = arith.index_cast %add3A_492 : i32 to index
        %get3A_494 = tpu.vector_load %arg8[%get3A_493] {strides = array<i32>} : memref<32768xf32, #tpu.memory_space<vmem>>, vector<16xf32>,
        %get3A_495 = vector.shape_cast %get3A_494 : vector<16xf32> to vector<16xf32>
        %mul3A_496 = vector.broadcast %squeeze3A_474 : f32 to vector<16xf32>
        %mul3A_497 = arith.mulf %get3A_495, %mul3A_496 : vector<16xf32>
        %swap3A_498 = arith.index_cast %add3A_478 : i32 to index
        %swap3A_499 = arith.constant 16 : index
        %swap3A_500 = tpu.vector_load %arg12[%swap3A_498, %swap3A_499] {strides = array<i32>} : memref<256x64xf32, #tpu.memory_space<vmem>>, vector<1x16xf32>,
        %swap3A_501 = vector.shape_cast %swap3A_500 : vector<1x16xf32> to vector<16xf32>
        %swap3A_502 = vector.shape_cast %mul3A_497 : vector<16xf32> to vector<1x16xf32>
        tpu.vector_store %arg12[%swap3A_498, %swap3A_499], %swap3A_502 {strides = array<i32>} : memref<256x64xf32, #tpu.memory_space<vmem>>, vector<1x16xf32>,
        %add3A_503 = arith.constant 32 : i32
        %add3A_504 = arith.addi %squeeze3A_472, %add3A_503 : i32
        %get3A_505 = arith.index_cast %add3A_504 : i32 to index
        %get3A_506 = tpu.vector_load %arg8[%get3A_505] {strides = array<i32>} : memref<32768xf32, #tpu.memory_space<vmem>>, vector<16xf32>,
        %get3A_507 = vector.shape_cast %get3A_506 : vector<16xf32> to vector<16xf32>
        %mul3A_508 = vector.broadcast %squeeze3A_474 : f32 to vector<16xf32>
        %mul3A_509 = arith.mulf %get3A_507, %mul3A_508 : vector<16xf32>
        %swap3A_510 = arith.index_cast %add3A_478 : i32 to index
        %swap3A_511 = arith.constant 32 : index
        %swap3A_512 = tpu.vector_load %arg12[%swap3A_510, %swap3A_511] {strides = array<i32>} : memref<256x64xf32, #tpu.memory_space<vmem>>, vector<1x16xf32>,
        %swap3A_513 = vector.shape_cast %swap3A_512 : vector<1x16xf32> to vector<16xf32>
        %swap3A_514 = vector.shape_cast %mul3A_509 : vector<16xf32> to vector<1x16xf32>
        tpu.vector_store %arg12[%swap3A_510, %swap3A_511], %swap3A_514 {strides = array<i32>} : memref<256x64xf32, #tpu.memory_space<vmem>>, vector<1x16xf32>,
        %add3A_515 = arith.constant 48 : i32
        %add3A_516 = arith.addi %squeeze3A_472, %add3A_515 : i32
        %get3A_517 = arith.index_cast %add3A_516 : i32 to index
        %get3A_518 = tpu.vector_load %arg8[%get3A_517] {strides = array<i32>} : memref<32768xf32, #tpu.memory_space<vmem>>, vector<16xf32>,
        %get3A_519 = vector.shape_cast %get3A_518 : vector<16xf32> to vector<16xf32>
        %mul3A_520 = vector.broadcast %squeeze3A_474 : f32 to vector<16xf32>
        %mul3A_521 = arith.mulf %get3A_519, %mul3A_520 : vector<16xf32>
        %swap3A_522 = arith.index_cast %add3A_478 : i32 to index
        %swap3A_523 = arith.constant 48 : index
        %swap3A_524 = tpu.vector_load %arg12[%swap3A_522, %swap3A_523] {strides = array<i32>} : memref<256x64xf32, #tpu.memory_space<vmem>>, vector<1x16xf32>,
        %swap3A_525 = vector.shape_cast %swap3A_524 : vector<1x16xf32> to vector<16xf32>
        %swap3A_526 = vector.shape_cast %mul3A_521 : vector<16xf32> to vector<1x16xf32>
        tpu.vector_store %arg12[%swap3A_522, %swap3A_523], %swap3A_526 {strides = array<i32>} : memref<256x64xf32, #tpu.memory_space<vmem>>, vector<1x16xf32>,
        %slice3A_527 = vector.extract_strided_slice %mul3A_76 {offsets = [8], sizes = [1], strides = [1]} : vector<16xi32> to vector<1xi32>
        %squeeze3A_528 = vector.extract %slice3A_527[0] : i32 from vector<1xi32>
        %slice3A_529 = vector.extract_strided_slice %get3A_81 {offsets = [8], sizes = [1], strides = [1]} : vector<16xf32> to vector<1xf32>
        %squeeze3A_530 = vector.extract %slice3A_529[0] : f32 from vector<1xf32>
        %mul3A_531 = arith.constant 16 : i32
        %mul3A_532 = arith.muli %scan3A_68, %mul3A_531 : i32
        %add3A_533 = arith.constant 8 : i32
        %add3A_534 = arith.addi %mul3A_532, %add3A_533 : i32
        %add3A_535 = arith.constant 0 : i32
        %add3A_536 = arith.addi %squeeze3A_528, %add3A_535 : i32
        %get3A_537 = arith.index_cast %add3A_536 : i32 to index
        %get3A_538 = tpu.vector_load %arg8[%get3A_537] {strides = array<i32>} : memref<32768xf32, #tpu.memory_space<vmem>>, vector<16xf32>,
        %get3A_539 = vector.shape_cast %get3A_538 : vector<16xf32> to vector<16xf32>
        %mul3A_540 = vector.broadcast %squeeze3A_530 : f32 to vector<16xf32>
        %mul3A_541 = arith.mulf %get3A_539, %mul3A_540 : vector<16xf32>
        %swap3A_542 = arith.index_cast %add3A_534 : i32 to index
        %swap3A_543 = arith.constant 0 : index
        %swap3A_544 = tpu.vector_load %arg12[%swap3A_542, %swap3A_543] {strides = array<i32>} : memref<256x64xf32, #tpu.memory_space<vmem>>, vector<1x16xf32>,
        %swap3A_545 = vector.shape_cast %swap3A_544 : vector<1x16xf32> to vector<16xf32>
        %swap3A_546 = vector.shape_cast %mul3A_541 : vector<16xf32> to vector<1x16xf32>
        tpu.vector_store %arg12[%swap3A_542, %swap3A_543], %swap3A_546 {strides = array<i32>} : memref<256x64xf32, #tpu.memory_space<vmem>>, vector<1x16xf32>,
        %add3A_547 = arith.constant 16 : i32
        %add3A_548 = arith.addi %squeeze3A_528, %add3A_547 : i32
        %get3A_549 = arith.index_cast %add3A_548 : i32 to index
        %get3A_550 = tpu.vector_load %arg8[%get3A_549] {strides = array<i32>} : memref<32768xf32, #tpu.memory_space<vmem>>, vector<16xf32>,
        %get3A_551 = vector.shape_cast %get3A_550 : vector<16xf32> to vector<16xf32>
        %mul3A_552 = vector.broadcast %squeeze3A_530 : f32 to vector<16xf32>
        %mul3A_553 = arith.mulf %get3A_551, %mul3A_552 : vector<16xf32>
        %swap3A_554 = arith.index_cast %add3A_534 : i32 to index
        %swap3A_555 = arith.constant 16 : index
        %swap3A_556 = tpu.vector_load %arg12[%swap3A_554, %swap3A_555] {strides = array<i32>} : memref<256x64xf32, #tpu.memory_space<vmem>>, vector<1x16xf32>,
        %swap3A_557 = vector.shape_cast %swap3A_556 : vector<1x16xf32> to vector<16xf32>
        %swap3A_558 = vector.shape_cast %mul3A_553 : vector<16xf32> to vector<1x16xf32>
        tpu.vector_store %arg12[%swap3A_554, %swap3A_555], %swap3A_558 {strides = array<i32>} : memref<256x64xf32, #tpu.memory_space<vmem>>, vector<1x16xf32>,
        %add3A_559 = arith.constant 32 : i32
        %add3A_560 = arith.addi %squeeze3A_528, %add3A_559 : i32
        %get3A_561 = arith.index_cast %add3A_560 : i32 to index
        %get3A_562 = tpu.vector_load %arg8[%get3A_561] {strides = array<i32>} : memref<32768xf32, #tpu.memory_space<vmem>>, vector<16xf32>,
        %get3A_563 = vector.shape_cast %get3A_562 : vector<16xf32> to vector<16xf32>
        %mul3A_564 = vector.broadcast %squeeze3A_530 : f32 to vector<16xf32>
        %mul3A_565 = arith.mulf %get3A_563, %mul3A_564 : vector<16xf32>
        %swap3A_566 = arith.index_cast %add3A_534 : i32 to index
        %swap3A_567 = arith.constant 32 : index
        %swap3A_568 = tpu.vector_load %arg12[%swap3A_566, %swap3A_567] {strides = array<i32>} : memref<256x64xf32, #tpu.memory_space<vmem>>, vector<1x16xf32>,
        %swap3A_569 = vector.shape_cast %swap3A_568 : vector<1x16xf32> to vector<16xf32>
        %swap3A_570 = vector.shape_cast %mul3A_565 : vector<16xf32> to vector<1x16xf32>
        tpu.vector_store %arg12[%swap3A_566, %swap3A_567], %swap3A_570 {strides = array<i32>} : memref<256x64xf32, #tpu.memory_space<vmem>>, vector<1x16xf32>,
        %add3A_571 = arith.constant 48 : i32
        %add3A_572 = arith.addi %squeeze3A_528, %add3A_571 : i32
        %get3A_573 = arith.index_cast %add3A_572 : i32 to index
        %get3A_574 = tpu.vector_load %arg8[%get3A_573] {strides = array<i32>} : memref<32768xf32, #tpu.memory_space<vmem>>, vector<16xf32>,
        %get3A_575 = vector.shape_cast %get3A_574 : vector<16xf32> to vector<16xf32>
        %mul3A_576 = vector.broadcast %squeeze3A_530 : f32 to vector<16xf32>
        %mul3A_577 = arith.mulf %get3A_575, %mul3A_576 : vector<16xf32>
        %swap3A_578 = arith.index_cast %add3A_534 : i32 to index
        %swap3A_579 = arith.constant 48 : index
        %swap3A_580 = tpu.vector_load %arg12[%swap3A_578, %swap3A_579] {strides = array<i32>} : memref<256x64xf32, #tpu.memory_space<vmem>>, vector<1x16xf32>,
        %swap3A_581 = vector.shape_cast %swap3A_580 : vector<1x16xf32> to vector<16xf32>
        %swap3A_582 = vector.shape_cast %mul3A_577 : vector<16xf32> to vector<1x16xf32>
        tpu.vector_store %arg12[%swap3A_578, %swap3A_579], %swap3A_582 {strides = array<i32>} : memref<256x64xf32, #tpu.memory_space<vmem>>, vector<1x16xf32>,
        %slice3A_583 = vector.extract_strided_slice %mul3A_76 {offsets = [9], sizes = [1], strides = [1]} : vector<16xi32> to vector<1xi32>
        %squeeze3A_584 = vector.extract %slice3A_583[0] : i32 from vector<1xi32>
        %slice3A_585 = vector.extract_strided_slice %get3A_81 {offsets = [9], sizes = [1], strides = [1]} : vector<16xf32> to vector<1xf32>
        %squeeze3A_586 = vector.extract %slice3A_585[0] : f32 from vector<1xf32>
        %mul3A_587 = arith.constant 16 : i32
        %mul3A_588 = arith.muli %scan3A_68, %mul3A_587 : i32
        %add3A_589 = arith.constant 9 : i32
        %add3A_590 = arith.addi %mul3A_588, %add3A_589 : i32
        %add3A_591 = arith.constant 0 : i32
        %add3A_592 = arith.addi %squeeze3A_584, %add3A_591 : i32
        %get3A_593 = arith.index_cast %add3A_592 : i32 to index
        %get3A_594 = tpu.vector_load %arg8[%get3A_593] {strides = array<i32>} : memref<32768xf32, #tpu.memory_space<vmem>>, vector<16xf32>,
        %get3A_595 = vector.shape_cast %get3A_594 : vector<16xf32> to vector<16xf32>
        %mul3A_596 = vector.broadcast %squeeze3A_586 : f32 to vector<16xf32>
        %mul3A_597 = arith.mulf %get3A_595, %mul3A_596 : vector<16xf32>
        %swap3A_598 = arith.index_cast %add3A_590 : i32 to index
        %swap3A_599 = arith.constant 0 : index
        %swap3A_600 = tpu.vector_load %arg12[%swap3A_598, %swap3A_599] {strides = array<i32>} : memref<256x64xf32, #tpu.memory_space<vmem>>, vector<1x16xf32>,
        %swap3A_601 = vector.shape_cast %swap3A_600 : vector<1x16xf32> to vector<16xf32>
        %swap3A_602 = vector.shape_cast %mul3A_597 : vector<16xf32> to vector<1x16xf32>
        tpu.vector_store %arg12[%swap3A_598, %swap3A_599], %swap3A_602 {strides = array<i32>} : memref<256x64xf32, #tpu.memory_space<vmem>>, vector<1x16xf32>,
        %add3A_603 = arith.constant 16 : i32
        %add3A_604 = arith.addi %squeeze3A_584, %add3A_603 : i32
        %get3A_605 = arith.index_cast %add3A_604 : i32 to index
        %get3A_606 = tpu.vector_load %arg8[%get3A_605] {strides = array<i32>} : memref<32768xf32, #tpu.memory_space<vmem>>, vector<16xf32>,
        %get3A_607 = vector.shape_cast %get3A_606 : vector<16xf32> to vector<16xf32>
        %mul3A_608 = vector.broadcast %squeeze3A_586 : f32 to vector<16xf32>
        %mul3A_609 = arith.mulf %get3A_607, %mul3A_608 : vector<16xf32>
        %swap3A_610 = arith.index_cast %add3A_590 : i32 to index
        %swap3A_611 = arith.constant 16 : index
        %swap3A_612 = tpu.vector_load %arg12[%swap3A_610, %swap3A_611] {strides = array<i32>} : memref<256x64xf32, #tpu.memory_space<vmem>>, vector<1x16xf32>,
        %swap3A_613 = vector.shape_cast %swap3A_612 : vector<1x16xf32> to vector<16xf32>
        %swap3A_614 = vector.shape_cast %mul3A_609 : vector<16xf32> to vector<1x16xf32>
        tpu.vector_store %arg12[%swap3A_610, %swap3A_611], %swap3A_614 {strides = array<i32>} : memref<256x64xf32, #tpu.memory_space<vmem>>, vector<1x16xf32>,
        %add3A_615 = arith.constant 32 : i32
        %add3A_616 = arith.addi %squeeze3A_584, %add3A_615 : i32
        %get3A_617 = arith.index_cast %add3A_616 : i32 to index
        %get3A_618 = tpu.vector_load %arg8[%get3A_617] {strides = array<i32>} : memref<32768xf32, #tpu.memory_space<vmem>>, vector<16xf32>,
        %get3A_619 = vector.shape_cast %get3A_618 : vector<16xf32> to vector<16xf32>
        %mul3A_620 = vector.broadcast %squeeze3A_586 : f32 to vector<16xf32>
        %mul3A_621 = arith.mulf %get3A_619, %mul3A_620 : vector<16xf32>
        %swap3A_622 = arith.index_cast %add3A_590 : i32 to index
        %swap3A_623 = arith.constant 32 : index
        %swap3A_624 = tpu.vector_load %arg12[%swap3A_622, %swap3A_623] {strides = array<i32>} : memref<256x64xf32, #tpu.memory_space<vmem>>, vector<1x16xf32>,
        %swap3A_625 = vector.shape_cast %swap3A_624 : vector<1x16xf32> to vector<16xf32>
        %swap3A_626 = vector.shape_cast %mul3A_621 : vector<16xf32> to vector<1x16xf32>
        tpu.vector_store %arg12[%swap3A_622, %swap3A_623], %swap3A_626 {strides = array<i32>} : memref<256x64xf32, #tpu.memory_space<vmem>>, vector<1x16xf32>,
        %add3A_627 = arith.constant 48 : i32
        %add3A_628 = arith.addi %squeeze3A_584, %add3A_627 : i32
        %get3A_629 = arith.index_cast %add3A_628 : i32 to index
        %get3A_630 = tpu.vector_load %arg8[%get3A_629] {strides = array<i32>} : memref<32768xf32, #tpu.memory_space<vmem>>, vector<16xf32>,
        %get3A_631 = vector.shape_cast %get3A_630 : vector<16xf32> to vector<16xf32>
        %mul3A_632 = vector.broadcast %squeeze3A_586 : f32 to vector<16xf32>
        %mul3A_633 = arith.mulf %get3A_631, %mul3A_632 : vector<16xf32>
        %swap3A_634 = arith.index_cast %add3A_590 : i32 to index
        %swap3A_635 = arith.constant 48 : index
        %swap3A_636 = tpu.vector_load %arg12[%swap3A_634, %swap3A_635] {strides = array<i32>} : memref<256x64xf32, #tpu.memory_space<vmem>>, vector<1x16xf32>,
        %swap3A_637 = vector.shape_cast %swap3A_636 : vector<1x16xf32> to vector<16xf32>
        %swap3A_638 = vector.shape_cast %mul3A_633 : vector<16xf32> to vector<1x16xf32>
        tpu.vector_store %arg12[%swap3A_634, %swap3A_635], %swap3A_638 {strides = array<i32>} : memref<256x64xf32, #tpu.memory_space<vmem>>, vector<1x16xf32>,
        %slice3A_639 = vector.extract_strided_slice %mul3A_76 {offsets = [10], sizes = [1], strides = [1]} : vector<16xi32> to vector<1xi32>
        %squeeze3A_640 = vector.extract %slice3A_639[0] : i32 from vector<1xi32>
        %slice3A_641 = vector.extract_strided_slice %get3A_81 {offsets = [10], sizes = [1], strides = [1]} : vector<16xf32> to vector<1xf32>
        %squeeze3A_642 = vector.extract %slice3A_641[0] : f32 from vector<1xf32>
        %mul3A_643 = arith.constant 16 : i32
        %mul3A_644 = arith.muli %scan3A_68, %mul3A_643 : i32
        %add3A_645 = arith.constant 10 : i32
        %add3A_646 = arith.addi %mul3A_644, %add3A_645 : i32
        %add3A_647 = arith.constant 0 : i32
        %add3A_648 = arith.addi %squeeze3A_640, %add3A_647 : i32
        %get3A_649 = arith.index_cast %add3A_648 : i32 to index
        %get3A_650 = tpu.vector_load %arg8[%get3A_649] {strides = array<i32>} : memref<32768xf32, #tpu.memory_space<vmem>>, vector<16xf32>,
        %get3A_651 = vector.shape_cast %get3A_650 : vector<16xf32> to vector<16xf32>
        %mul3A_652 = vector.broadcast %squeeze3A_642 : f32 to vector<16xf32>
        %mul3A_653 = arith.mulf %get3A_651, %mul3A_652 : vector<16xf32>
        %swap3A_654 = arith.index_cast %add3A_646 : i32 to index
        %swap3A_655 = arith.constant 0 : index
        %swap3A_656 = tpu.vector_load %arg12[%swap3A_654, %swap3A_655] {strides = array<i32>} : memref<256x64xf32, #tpu.memory_space<vmem>>, vector<1x16xf32>,
        %swap3A_657 = vector.shape_cast %swap3A_656 : vector<1x16xf32> to vector<16xf32>
        %swap3A_658 = vector.shape_cast %mul3A_653 : vector<16xf32> to vector<1x16xf32>
        tpu.vector_store %arg12[%swap3A_654, %swap3A_655], %swap3A_658 {strides = array<i32>} : memref<256x64xf32, #tpu.memory_space<vmem>>, vector<1x16xf32>,
        %add3A_659 = arith.constant 16 : i32
        %add3A_660 = arith.addi %squeeze3A_640, %add3A_659 : i32
        %get3A_661 = arith.index_cast %add3A_660 : i32 to index
        %get3A_662 = tpu.vector_load %arg8[%get3A_661] {strides = array<i32>} : memref<32768xf32, #tpu.memory_space<vmem>>, vector<16xf32>,
        %get3A_663 = vector.shape_cast %get3A_662 : vector<16xf32> to vector<16xf32>
        %mul3A_664 = vector.broadcast %squeeze3A_642 : f32 to vector<16xf32>
        %mul3A_665 = arith.mulf %get3A_663, %mul3A_664 : vector<16xf32>
        %swap3A_666 = arith.index_cast %add3A_646 : i32 to index
        %swap3A_667 = arith.constant 16 : index
        %swap3A_668 = tpu.vector_load %arg12[%swap3A_666, %swap3A_667] {strides = array<i32>} : memref<256x64xf32, #tpu.memory_space<vmem>>, vector<1x16xf32>,
        %swap3A_669 = vector.shape_cast %swap3A_668 : vector<1x16xf32> to vector<16xf32>
        %swap3A_670 = vector.shape_cast %mul3A_665 : vector<16xf32> to vector<1x16xf32>
        tpu.vector_store %arg12[%swap3A_666, %swap3A_667], %swap3A_670 {strides = array<i32>} : memref<256x64xf32, #tpu.memory_space<vmem>>, vector<1x16xf32>,
        %add3A_671 = arith.constant 32 : i32
        %add3A_672 = arith.addi %squeeze3A_640, %add3A_671 : i32
        %get3A_673 = arith.index_cast %add3A_672 : i32 to index
        %get3A_674 = tpu.vector_load %arg8[%get3A_673] {strides = array<i32>} : memref<32768xf32, #tpu.memory_space<vmem>>, vector<16xf32>,
        %get3A_675 = vector.shape_cast %get3A_674 : vector<16xf32> to vector<16xf32>
        %mul3A_676 = vector.broadcast %squeeze3A_642 : f32 to vector<16xf32>
        %mul3A_677 = arith.mulf %get3A_675, %mul3A_676 : vector<16xf32>
        %swap3A_678 = arith.index_cast %add3A_646 : i32 to index
        %swap3A_679 = arith.constant 32 : index
        %swap3A_680 = tpu.vector_load %arg12[%swap3A_678, %swap3A_679] {strides = array<i32>} : memref<256x64xf32, #tpu.memory_space<vmem>>, vector<1x16xf32>,
        %swap3A_681 = vector.shape_cast %swap3A_680 : vector<1x16xf32> to vector<16xf32>
        %swap3A_682 = vector.shape_cast %mul3A_677 : vector<16xf32> to vector<1x16xf32>
        tpu.vector_store %arg12[%swap3A_678, %swap3A_679], %swap3A_682 {strides = array<i32>} : memref<256x64xf32, #tpu.memory_space<vmem>>, vector<1x16xf32>,
        %add3A_683 = arith.constant 48 : i32
        %add3A_684 = arith.addi %squeeze3A_640, %add3A_683 : i32
        %get3A_685 = arith.index_cast %add3A_684 : i32 to index
        %get3A_686 = tpu.vector_load %arg8[%get3A_685] {strides = array<i32>} : memref<32768xf32, #tpu.memory_space<vmem>>, vector<16xf32>,
        %get3A_687 = vector.shape_cast %get3A_686 : vector<16xf32> to vector<16xf32>
        %mul3A_688 = vector.broadcast %squeeze3A_642 : f32 to vector<16xf32>
        %mul3A_689 = arith.mulf %get3A_687, %mul3A_688 : vector<16xf32>
        %swap3A_690 = arith.index_cast %add3A_646 : i32 to index
        %swap3A_691 = arith.constant 48 : index
        %swap3A_692 = tpu.vector_load %arg12[%swap3A_690, %swap3A_691] {strides = array<i32>} : memref<256x64xf32, #tpu.memory_space<vmem>>, vector<1x16xf32>,
        %swap3A_693 = vector.shape_cast %swap3A_692 : vector<1x16xf32> to vector<16xf32>
        %swap3A_694 = vector.shape_cast %mul3A_689 : vector<16xf32> to vector<1x16xf32>
        tpu.vector_store %arg12[%swap3A_690, %swap3A_691], %swap3A_694 {strides = array<i32>} : memref<256x64xf32, #tpu.memory_space<vmem>>, vector<1x16xf32>,
        %slice3A_695 = vector.extract_strided_slice %mul3A_76 {offsets = [11], sizes = [1], strides = [1]} : vector<16xi32> to vector<1xi32>
        %squeeze3A_696 = vector.extract %slice3A_695[0] : i32 from vector<1xi32>
        %slice3A_697 = vector.extract_strided_slice %get3A_81 {offsets = [11], sizes = [1], strides = [1]} : vector<16xf32> to vector<1xf32>
        %squeeze3A_698 = vector.extract %slice3A_697[0] : f32 from vector<1xf32>
        %mul3A_699 = arith.constant 16 : i32
        %mul3A_700 = arith.muli %scan3A_68, %mul3A_699 : i32
        %add3A_701 = arith.constant 11 : i32
        %add3A_702 = arith.addi %mul3A_700, %add3A_701 : i32
        %add3A_703 = arith.constant 0 : i32
        %add3A_704 = arith.addi %squeeze3A_696, %add3A_703 : i32
        %get3A_705 = arith.index_cast %add3A_704 : i32 to index
        %get3A_706 = tpu.vector_load %arg8[%get3A_705] {strides = array<i32>} : memref<32768xf32, #tpu.memory_space<vmem>>, vector<16xf32>,
        %get3A_707 = vector.shape_cast %get3A_706 : vector<16xf32> to vector<16xf32>
        %mul3A_708 = vector.broadcast %squeeze3A_698 : f32 to vector<16xf32>
        %mul3A_709 = arith.mulf %get3A_707, %mul3A_708 : vector<16xf32>
        %swap3A_710 = arith.index_cast %add3A_702 : i32 to index
        %swap3A_711 = arith.constant 0 : index
        %swap3A_712 = tpu.vector_load %arg12[%swap3A_710, %swap3A_711] {strides = array<i32>} : memref<256x64xf32, #tpu.memory_space<vmem>>, vector<1x16xf32>,
        %swap3A_713 = vector.shape_cast %swap3A_712 : vector<1x16xf32> to vector<16xf32>
        %swap3A_714 = vector.shape_cast %mul3A_709 : vector<16xf32> to vector<1x16xf32>
        tpu.vector_store %arg12[%swap3A_710, %swap3A_711], %swap3A_714 {strides = array<i32>} : memref<256x64xf32, #tpu.memory_space<vmem>>, vector<1x16xf32>,
        %add3A_715 = arith.constant 16 : i32
        %add3A_716 = arith.addi %squeeze3A_696, %add3A_715 : i32
        %get3A_717 = arith.index_cast %add3A_716 : i32 to index
        %get3A_718 = tpu.vector_load %arg8[%get3A_717] {strides = array<i32>} : memref<32768xf32, #tpu.memory_space<vmem>>, vector<16xf32>,
        %get3A_719 = vector.shape_cast %get3A_718 : vector<16xf32> to vector<16xf32>
        %mul3A_720 = vector.broadcast %squeeze3A_698 : f32 to vector<16xf32>
        %mul3A_721 = arith.mulf %get3A_719, %mul3A_720 : vector<16xf32>
        %swap3A_722 = arith.index_cast %add3A_702 : i32 to index
        %swap3A_723 = arith.constant 16 : index
        %swap3A_724 = tpu.vector_load %arg12[%swap3A_722, %swap3A_723] {strides = array<i32>} : memref<256x64xf32, #tpu.memory_space<vmem>>, vector<1x16xf32>,
        %swap3A_725 = vector.shape_cast %swap3A_724 : vector<1x16xf32> to vector<16xf32>
        %swap3A_726 = vector.shape_cast %mul3A_721 : vector<16xf32> to vector<1x16xf32>
        tpu.vector_store %arg12[%swap3A_722, %swap3A_723], %swap3A_726 {strides = array<i32>} : memref<256x64xf32, #tpu.memory_space<vmem>>, vector<1x16xf32>,
        %add3A_727 = arith.constant 32 : i32
        %add3A_728 = arith.addi %squeeze3A_696, %add3A_727 : i32
        %get3A_729 = arith.index_cast %add3A_728 : i32 to index
        %get3A_730 = tpu.vector_load %arg8[%get3A_729] {strides = array<i32>} : memref<32768xf32, #tpu.memory_space<vmem>>, vector<16xf32>,
        %get3A_731 = vector.shape_cast %get3A_730 : vector<16xf32> to vector<16xf32>
        %mul3A_732 = vector.broadcast %squeeze3A_698 : f32 to vector<16xf32>
        %mul3A_733 = arith.mulf %get3A_731, %mul3A_732 : vector<16xf32>
        %swap3A_734 = arith.index_cast %add3A_702 : i32 to index
        %swap3A_735 = arith.constant 32 : index
        %swap3A_736 = tpu.vector_load %arg12[%swap3A_734, %swap3A_735] {strides = array<i32>} : memref<256x64xf32, #tpu.memory_space<vmem>>, vector<1x16xf32>,
        %swap3A_737 = vector.shape_cast %swap3A_736 : vector<1x16xf32> to vector<16xf32>
        %swap3A_738 = vector.shape_cast %mul3A_733 : vector<16xf32> to vector<1x16xf32>
        tpu.vector_store %arg12[%swap3A_734, %swap3A_735], %swap3A_738 {strides = array<i32>} : memref<256x64xf32, #tpu.memory_space<vmem>>, vector<1x16xf32>,
        %add3A_739 = arith.constant 48 : i32
        %add3A_740 = arith.addi %squeeze3A_696, %add3A_739 : i32
        %get3A_741 = arith.index_cast %add3A_740 : i32 to index
        %get3A_742 = tpu.vector_load %arg8[%get3A_741] {strides = array<i32>} : memref<32768xf32, #tpu.memory_space<vmem>>, vector<16xf32>,
        %get3A_743 = vector.shape_cast %get3A_742 : vector<16xf32> to vector<16xf32>
        %mul3A_744 = vector.broadcast %squeeze3A_698 : f32 to vector<16xf32>
        %mul3A_745 = arith.mulf %get3A_743, %mul3A_744 : vector<16xf32>
        %swap3A_746 = arith.index_cast %add3A_702 : i32 to index
        %swap3A_747 = arith.constant 48 : index
        %swap3A_748 = tpu.vector_load %arg12[%swap3A_746, %swap3A_747] {strides = array<i32>} : memref<256x64xf32, #tpu.memory_space<vmem>>, vector<1x16xf32>,
        %swap3A_749 = vector.shape_cast %swap3A_748 : vector<1x16xf32> to vector<16xf32>
        %swap3A_750 = vector.shape_cast %mul3A_745 : vector<16xf32> to vector<1x16xf32>
        tpu.vector_store %arg12[%swap3A_746, %swap3A_747], %swap3A_750 {strides = array<i32>} : memref<256x64xf32, #tpu.memory_space<vmem>>, vector<1x16xf32>,
        %slice3A_751 = vector.extract_strided_slice %mul3A_76 {offsets = [12], sizes = [1], strides = [1]} : vector<16xi32> to vector<1xi32>
        %squeeze3A_752 = vector.extract %slice3A_751[0] : i32 from vector<1xi32>
        %slice3A_753 = vector.extract_strided_slice %get3A_81 {offsets = [12], sizes = [1], strides = [1]} : vector<16xf32> to vector<1xf32>
        %squeeze3A_754 = vector.extract %slice3A_753[0] : f32 from vector<1xf32>
        %mul3A_755 = arith.constant 16 : i32
        %mul3A_756 = arith.muli %scan3A_68, %mul3A_755 : i32
        %add3A_757 = arith.constant 12 : i32
        %add3A_758 = arith.addi %mul3A_756, %add3A_757 : i32
        %add3A_759 = arith.constant 0 : i32
        %add3A_760 = arith.addi %squeeze3A_752, %add3A_759 : i32
        %get3A_761 = arith.index_cast %add3A_760 : i32 to index
        %get3A_762 = tpu.vector_load %arg8[%get3A_761] {strides = array<i32>} : memref<32768xf32, #tpu.memory_space<vmem>>, vector<16xf32>,
        %get3A_763 = vector.shape_cast %get3A_762 : vector<16xf32> to vector<16xf32>
        %mul3A_764 = vector.broadcast %squeeze3A_754 : f32 to vector<16xf32>
        %mul3A_765 = arith.mulf %get3A_763, %mul3A_764 : vector<16xf32>
        %swap3A_766 = arith.index_cast %add3A_758 : i32 to index
        %swap3A_767 = arith.constant 0 : index
        %swap3A_768 = tpu.vector_load %arg12[%swap3A_766, %swap3A_767] {strides = array<i32>} : memref<256x64xf32, #tpu.memory_space<vmem>>, vector<1x16xf32>,
        %swap3A_769 = vector.shape_cast %swap3A_768 : vector<1x16xf32> to vector<16xf32>
        %swap3A_770 = vector.shape_cast %mul3A_765 : vector<16xf32> to vector<1x16xf32>
        tpu.vector_store %arg12[%swap3A_766, %swap3A_767], %swap3A_770 {strides = array<i32>} : memref<256x64xf32, #tpu.memory_space<vmem>>, vector<1x16xf32>,
        %add3A_771 = arith.constant 16 : i32
        %add3A_772 = arith.addi %squeeze3A_752, %add3A_771 : i32
        %get3A_773 = arith.index_cast %add3A_772 : i32 to index
        %get3A_774 = tpu.vector_load %arg8[%get3A_773] {strides = array<i32>} : memref<32768xf32, #tpu.memory_space<vmem>>, vector<16xf32>,
        %get3A_775 = vector.shape_cast %get3A_774 : vector<16xf32> to vector<16xf32>
        %mul3A_776 = vector.broadcast %squeeze3A_754 : f32 to vector<16xf32>
        %mul3A_777 = arith.mulf %get3A_775, %mul3A_776 : vector<16xf32>
        %swap3A_778 = arith.index_cast %add3A_758 : i32 to index
        %swap3A_779 = arith.constant 16 : index
        %swap3A_780 = tpu.vector_load %arg12[%swap3A_778, %swap3A_779] {strides = array<i32>} : memref<256x64xf32, #tpu.memory_space<vmem>>, vector<1x16xf32>,
        %swap3A_781 = vector.shape_cast %swap3A_780 : vector<1x16xf32> to vector<16xf32>
        %swap3A_782 = vector.shape_cast %mul3A_777 : vector<16xf32> to vector<1x16xf32>
        tpu.vector_store %arg12[%swap3A_778, %swap3A_779], %swap3A_782 {strides = array<i32>} : memref<256x64xf32, #tpu.memory_space<vmem>>, vector<1x16xf32>,
        %add3A_783 = arith.constant 32 : i32
        %add3A_784 = arith.addi %squeeze3A_752, %add3A_783 : i32
        %get3A_785 = arith.index_cast %add3A_784 : i32 to index
        %get3A_786 = tpu.vector_load %arg8[%get3A_785] {strides = array<i32>} : memref<32768xf32, #tpu.memory_space<vmem>>, vector<16xf32>,
        %get3A_787 = vector.shape_cast %get3A_786 : vector<16xf32> to vector<16xf32>
        %mul3A_788 = vector.broadcast %squeeze3A_754 : f32 to vector<16xf32>
        %mul3A_789 = arith.mulf %get3A_787, %mul3A_788 : vector<16xf32>
        %swap3A_790 = arith.index_cast %add3A_758 : i32 to index
        %swap3A_791 = arith.constant 32 : index
        %swap3A_792 = tpu.vector_load %arg12[%swap3A_790, %swap3A_791] {strides = array<i32>} : memref<256x64xf32, #tpu.memory_space<vmem>>, vector<1x16xf32>,
        %swap3A_793 = vector.shape_cast %swap3A_792 : vector<1x16xf32> to vector<16xf32>
        %swap3A_794 = vector.shape_cast %mul3A_789 : vector<16xf32> to vector<1x16xf32>
        tpu.vector_store %arg12[%swap3A_790, %swap3A_791], %swap3A_794 {strides = array<i32>} : memref<256x64xf32, #tpu.memory_space<vmem>>, vector<1x16xf32>,
        %add3A_795 = arith.constant 48 : i32
        %add3A_796 = arith.addi %squeeze3A_752, %add3A_795 : i32
        %get3A_797 = arith.index_cast %add3A_796 : i32 to index
        %get3A_798 = tpu.vector_load %arg8[%get3A_797] {strides = array<i32>} : memref<32768xf32, #tpu.memory_space<vmem>>, vector<16xf32>,
        %get3A_799 = vector.shape_cast %get3A_798 : vector<16xf32> to vector<16xf32>
        %mul3A_800 = vector.broadcast %squeeze3A_754 : f32 to vector<16xf32>
        %mul3A_801 = arith.mulf %get3A_799, %mul3A_800 : vector<16xf32>
        %swap3A_802 = arith.index_cast %add3A_758 : i32 to index
        %swap3A_803 = arith.constant 48 : index
        %swap3A_804 = tpu.vector_load %arg12[%swap3A_802, %swap3A_803] {strides = array<i32>} : memref<256x64xf32, #tpu.memory_space<vmem>>, vector<1x16xf32>,
        %swap3A_805 = vector.shape_cast %swap3A_804 : vector<1x16xf32> to vector<16xf32>
        %swap3A_806 = vector.shape_cast %mul3A_801 : vector<16xf32> to vector<1x16xf32>
        tpu.vector_store %arg12[%swap3A_802, %swap3A_803], %swap3A_806 {strides = array<i32>} : memref<256x64xf32, #tpu.memory_space<vmem>>, vector<1x16xf32>,
        %slice3A_807 = vector.extract_strided_slice %mul3A_76 {offsets = [13], sizes = [1], strides = [1]} : vector<16xi32> to vector<1xi32>
        %squeeze3A_808 = vector.extract %slice3A_807[0] : i32 from vector<1xi32>
        %slice3A_809 = vector.extract_strided_slice %get3A_81 {offsets = [13], sizes = [1], strides = [1]} : vector<16xf32> to vector<1xf32>
        %squeeze3A_810 = vector.extract %slice3A_809[0] : f32 from vector<1xf32>
        %mul3A_811 = arith.constant 16 : i32
        %mul3A_812 = arith.muli %scan3A_68, %mul3A_811 : i32
        %add3A_813 = arith.constant 13 : i32
        %add3A_814 = arith.addi %mul3A_812, %add3A_813 : i32
        %add3A_815 = arith.constant 0 : i32
        %add3A_816 = arith.addi %squeeze3A_808, %add3A_815 : i32
        %get3A_817 = arith.index_cast %add3A_816 : i32 to index
        %get3A_818 = tpu.vector_load %arg8[%get3A_817] {strides = array<i32>} : memref<32768xf32, #tpu.memory_space<vmem>>, vector<16xf32>,
        %get3A_819 = vector.shape_cast %get3A_818 : vector<16xf32> to vector<16xf32>
        %mul3A_820 = vector.broadcast %squeeze3A_810 : f32 to vector<16xf32>
        %mul3A_821 = arith.mulf %get3A_819, %mul3A_820 : vector<16xf32>
        %swap3A_822 = arith.index_cast %add3A_814 : i32 to index
        %swap3A_823 = arith.constant 0 : index
        %swap3A_824 = tpu.vector_load %arg12[%swap3A_822, %swap3A_823] {strides = array<i32>} : memref<256x64xf32, #tpu.memory_space<vmem>>, vector<1x16xf32>,
        %swap3A_825 = vector.shape_cast %swap3A_824 : vector<1x16xf32> to vector<16xf32>
        %swap3A_826 = vector.shape_cast %mul3A_821 : vector<16xf32> to vector<1x16xf32>
        tpu.vector_store %arg12[%swap3A_822, %swap3A_823], %swap3A_826 {strides = array<i32>} : memref<256x64xf32, #tpu.memory_space<vmem>>, vector<1x16xf32>,
        %add3A_827 = arith.constant 16 : i32
        %add3A_828 = arith.addi %squeeze3A_808, %add3A_827 : i32
        %get3A_829 = arith.index_cast %add3A_828 : i32 to index
        %get3A_830 = tpu.vector_load %arg8[%get3A_829] {strides = array<i32>} : memref<32768xf32, #tpu.memory_space<vmem>>, vector<16xf32>,
        %get3A_831 = vector.shape_cast %get3A_830 : vector<16xf32> to vector<16xf32>
        %mul3A_832 = vector.broadcast %squeeze3A_810 : f32 to vector<16xf32>
        %mul3A_833 = arith.mulf %get3A_831, %mul3A_832 : vector<16xf32>
        %swap3A_834 = arith.index_cast %add3A_814 : i32 to index
        %swap3A_835 = arith.constant 16 : index
        %swap3A_836 = tpu.vector_load %arg12[%swap3A_834, %swap3A_835] {strides = array<i32>} : memref<256x64xf32, #tpu.memory_space<vmem>>, vector<1x16xf32>,
        %swap3A_837 = vector.shape_cast %swap3A_836 : vector<1x16xf32> to vector<16xf32>
        %swap3A_838 = vector.shape_cast %mul3A_833 : vector<16xf32> to vector<1x16xf32>
        tpu.vector_store %arg12[%swap3A_834, %swap3A_835], %swap3A_838 {strides = array<i32>} : memref<256x64xf32, #tpu.memory_space<vmem>>, vector<1x16xf32>,
        %add3A_839 = arith.constant 32 : i32
        %add3A_840 = arith.addi %squeeze3A_808, %add3A_839 : i32
        %get3A_841 = arith.index_cast %add3A_840 : i32 to index
        %get3A_842 = tpu.vector_load %arg8[%get3A_841] {strides = array<i32>} : memref<32768xf32, #tpu.memory_space<vmem>>, vector<16xf32>,
        %get3A_843 = vector.shape_cast %get3A_842 : vector<16xf32> to vector<16xf32>
        %mul3A_844 = vector.broadcast %squeeze3A_810 : f32 to vector<16xf32>
        %mul3A_845 = arith.mulf %get3A_843, %mul3A_844 : vector<16xf32>
        %swap3A_846 = arith.index_cast %add3A_814 : i32 to index
        %swap3A_847 = arith.constant 32 : index
        %swap3A_848 = tpu.vector_load %arg12[%swap3A_846, %swap3A_847] {strides = array<i32>} : memref<256x64xf32, #tpu.memory_space<vmem>>, vector<1x16xf32>,
        %swap3A_849 = vector.shape_cast %swap3A_848 : vector<1x16xf32> to vector<16xf32>
        %swap3A_850 = vector.shape_cast %mul3A_845 : vector<16xf32> to vector<1x16xf32>
        tpu.vector_store %arg12[%swap3A_846, %swap3A_847], %swap3A_850 {strides = array<i32>} : memref<256x64xf32, #tpu.memory_space<vmem>>, vector<1x16xf32>,
        %add3A_851 = arith.constant 48 : i32
        %add3A_852 = arith.addi %squeeze3A_808, %add3A_851 : i32
        %get3A_853 = arith.index_cast %add3A_852 : i32 to index
        %get3A_854 = tpu.vector_load %arg8[%get3A_853] {strides = array<i32>} : memref<32768xf32, #tpu.memory_space<vmem>>, vector<16xf32>,
        %get3A_855 = vector.shape_cast %get3A_854 : vector<16xf32> to vector<16xf32>
        %mul3A_856 = vector.broadcast %squeeze3A_810 : f32 to vector<16xf32>
        %mul3A_857 = arith.mulf %get3A_855, %mul3A_856 : vector<16xf32>
        %swap3A_858 = arith.index_cast %add3A_814 : i32 to index
        %swap3A_859 = arith.constant 48 : index
        %swap3A_860 = tpu.vector_load %arg12[%swap3A_858, %swap3A_859] {strides = array<i32>} : memref<256x64xf32, #tpu.memory_space<vmem>>, vector<1x16xf32>,
        %swap3A_861 = vector.shape_cast %swap3A_860 : vector<1x16xf32> to vector<16xf32>
        %swap3A_862 = vector.shape_cast %mul3A_857 : vector<16xf32> to vector<1x16xf32>
        tpu.vector_store %arg12[%swap3A_858, %swap3A_859], %swap3A_862 {strides = array<i32>} : memref<256x64xf32, #tpu.memory_space<vmem>>, vector<1x16xf32>,
        %slice3A_863 = vector.extract_strided_slice %mul3A_76 {offsets = [14], sizes = [1], strides = [1]} : vector<16xi32> to vector<1xi32>
        %squeeze3A_864 = vector.extract %slice3A_863[0] : i32 from vector<1xi32>
        %slice3A_865 = vector.extract_strided_slice %get3A_81 {offsets = [14], sizes = [1], strides = [1]} : vector<16xf32> to vector<1xf32>
        %squeeze3A_866 = vector.extract %slice3A_865[0] : f32 from vector<1xf32>
        %mul3A_867 = arith.constant 16 : i32
        %mul3A_868 = arith.muli %scan3A_68, %mul3A_867 : i32
        %add3A_869 = arith.constant 14 : i32
        %add3A_870 = arith.addi %mul3A_868, %add3A_869 : i32
        %add3A_871 = arith.constant 0 : i32
        %add3A_872 = arith.addi %squeeze3A_864, %add3A_871 : i32
        %get3A_873 = arith.index_cast %add3A_872 : i32 to index
        %get3A_874 = tpu.vector_load %arg8[%get3A_873] {strides = array<i32>} : memref<32768xf32, #tpu.memory_space<vmem>>, vector<16xf32>,
        %get3A_875 = vector.shape_cast %get3A_874 : vector<16xf32> to vector<16xf32>
        %mul3A_876 = vector.broadcast %squeeze3A_866 : f32 to vector<16xf32>
        %mul3A_877 = arith.mulf %get3A_875, %mul3A_876 : vector<16xf32>
        %swap3A_878 = arith.index_cast %add3A_870 : i32 to index
        %swap3A_879 = arith.constant 0 : index
        %swap3A_880 = tpu.vector_load %arg12[%swap3A_878, %swap3A_879] {strides = array<i32>} : memref<256x64xf32, #tpu.memory_space<vmem>>, vector<1x16xf32>,
        %swap3A_881 = vector.shape_cast %swap3A_880 : vector<1x16xf32> to vector<16xf32>
        %swap3A_882 = vector.shape_cast %mul3A_877 : vector<16xf32> to vector<1x16xf32>
        tpu.vector_store %arg12[%swap3A_878, %swap3A_879], %swap3A_882 {strides = array<i32>} : memref<256x64xf32, #tpu.memory_space<vmem>>, vector<1x16xf32>,
        %add3A_883 = arith.constant 16 : i32
        %add3A_884 = arith.addi %squeeze3A_864, %add3A_883 : i32
        %get3A_885 = arith.index_cast %add3A_884 : i32 to index
        %get3A_886 = tpu.vector_load %arg8[%get3A_885] {strides = array<i32>} : memref<32768xf32, #tpu.memory_space<vmem>>, vector<16xf32>,
        %get3A_887 = vector.shape_cast %get3A_886 : vector<16xf32> to vector<16xf32>
        %mul3A_888 = vector.broadcast %squeeze3A_866 : f32 to vector<16xf32>
        %mul3A_889 = arith.mulf %get3A_887, %mul3A_888 : vector<16xf32>
        %swap3A_890 = arith.index_cast %add3A_870 : i32 to index
        %swap3A_891 = arith.constant 16 : index
        %swap3A_892 = tpu.vector_load %arg12[%swap3A_890, %swap3A_891] {strides = array<i32>} : memref<256x64xf32, #tpu.memory_space<vmem>>, vector<1x16xf32>,
        %swap3A_893 = vector.shape_cast %swap3A_892 : vector<1x16xf32> to vector<16xf32>
        %swap3A_894 = vector.shape_cast %mul3A_889 : vector<16xf32> to vector<1x16xf32>
        tpu.vector_store %arg12[%swap3A_890, %swap3A_891], %swap3A_894 {strides = array<i32>} : memref<256x64xf32, #tpu.memory_space<vmem>>, vector<1x16xf32>,
        %add3A_895 = arith.constant 32 : i32
        %add3A_896 = arith.addi %squeeze3A_864, %add3A_895 : i32
        %get3A_897 = arith.index_cast %add3A_896 : i32 to index
        %get3A_898 = tpu.vector_load %arg8[%get3A_897] {strides = array<i32>} : memref<32768xf32, #tpu.memory_space<vmem>>, vector<16xf32>,
        %get3A_899 = vector.shape_cast %get3A_898 : vector<16xf32> to vector<16xf32>
        %mul3A_900 = vector.broadcast %squeeze3A_866 : f32 to vector<16xf32>
        %mul3A_901 = arith.mulf %get3A_899, %mul3A_900 : vector<16xf32>
        %swap3A_902 = arith.index_cast %add3A_870 : i32 to index
        %swap3A_903 = arith.constant 32 : index
        %swap3A_904 = tpu.vector_load %arg12[%swap3A_902, %swap3A_903] {strides = array<i32>} : memref<256x64xf32, #tpu.memory_space<vmem>>, vector<1x16xf32>,
        %swap3A_905 = vector.shape_cast %swap3A_904 : vector<1x16xf32> to vector<16xf32>
        %swap3A_906 = vector.shape_cast %mul3A_901 : vector<16xf32> to vector<1x16xf32>
        tpu.vector_store %arg12[%swap3A_902, %swap3A_903], %swap3A_906 {strides = array<i32>} : memref<256x64xf32, #tpu.memory_space<vmem>>, vector<1x16xf32>,
        %add3A_907 = arith.constant 48 : i32
        %add3A_908 = arith.addi %squeeze3A_864, %add3A_907 : i32
        %get3A_909 = arith.index_cast %add3A_908 : i32 to index
        %get3A_910 = tpu.vector_load %arg8[%get3A_909] {strides = array<i32>} : memref<32768xf32, #tpu.memory_space<vmem>>, vector<16xf32>,
        %get3A_911 = vector.shape_cast %get3A_910 : vector<16xf32> to vector<16xf32>
        %mul3A_912 = vector.broadcast %squeeze3A_866 : f32 to vector<16xf32>
        %mul3A_913 = arith.mulf %get3A_911, %mul3A_912 : vector<16xf32>
        %swap3A_914 = arith.index_cast %add3A_870 : i32 to index
        %swap3A_915 = arith.constant 48 : index
        %swap3A_916 = tpu.vector_load %arg12[%swap3A_914, %swap3A_915] {strides = array<i32>} : memref<256x64xf32, #tpu.memory_space<vmem>>, vector<1x16xf32>,
        %swap3A_917 = vector.shape_cast %swap3A_916 : vector<1x16xf32> to vector<16xf32>
        %swap3A_918 = vector.shape_cast %mul3A_913 : vector<16xf32> to vector<1x16xf32>
        tpu.vector_store %arg12[%swap3A_914, %swap3A_915], %swap3A_918 {strides = array<i32>} : memref<256x64xf32, #tpu.memory_space<vmem>>, vector<1x16xf32>,
        %slice3A_919 = vector.extract_strided_slice %mul3A_76 {offsets = [15], sizes = [1], strides = [1]} : vector<16xi32> to vector<1xi32>
        %squeeze3A_920 = vector.extract %slice3A_919[0] : i32 from vector<1xi32>
        %slice3A_921 = vector.extract_strided_slice %get3A_81 {offsets = [15], sizes = [1], strides = [1]} : vector<16xf32> to vector<1xf32>
        %squeeze3A_922 = vector.extract %slice3A_921[0] : f32 from vector<1xf32>
        %mul3A_923 = arith.constant 16 : i32
        %mul3A_924 = arith.muli %scan3A_68, %mul3A_923 : i32
        %add3A_925 = arith.constant 15 : i32
        %add3A_926 = arith.addi %mul3A_924, %add3A_925 : i32
        %add3A_927 = arith.constant 0 : i32
        %add3A_928 = arith.addi %squeeze3A_920, %add3A_927 : i32
        %get3A_929 = arith.index_cast %add3A_928 : i32 to index
        %get3A_930 = tpu.vector_load %arg8[%get3A_929] {strides = array<i32>} : memref<32768xf32, #tpu.memory_space<vmem>>, vector<16xf32>,
        %get3A_931 = vector.shape_cast %get3A_930 : vector<16xf32> to vector<16xf32>
        %mul3A_932 = vector.broadcast %squeeze3A_922 : f32 to vector<16xf32>
        %mul3A_933 = arith.mulf %get3A_931, %mul3A_932 : vector<16xf32>
        %swap3A_934 = arith.index_cast %add3A_926 : i32 to index
        %swap3A_935 = arith.constant 0 : index
        %swap3A_936 = tpu.vector_load %arg12[%swap3A_934, %swap3A_935] {strides = array<i32>} : memref<256x64xf32, #tpu.memory_space<vmem>>, vector<1x16xf32>,
        %swap3A_937 = vector.shape_cast %swap3A_936 : vector<1x16xf32> to vector<16xf32>
        %swap3A_938 = vector.shape_cast %mul3A_933 : vector<16xf32> to vector<1x16xf32>
        tpu.vector_store %arg12[%swap3A_934, %swap3A_935], %swap3A_938 {strides = array<i32>} : memref<256x64xf32, #tpu.memory_space<vmem>>, vector<1x16xf32>,
        %add3A_939 = arith.constant 16 : i32
        %add3A_940 = arith.addi %squeeze3A_920, %add3A_939 : i32
        %get3A_941 = arith.index_cast %add3A_940 : i32 to index
        %get3A_942 = tpu.vector_load %arg8[%get3A_941] {strides = array<i32>} : memref<32768xf32, #tpu.memory_space<vmem>>, vector<16xf32>,
        %get3A_943 = vector.shape_cast %get3A_942 : vector<16xf32> to vector<16xf32>
        %mul3A_944 = vector.broadcast %squeeze3A_922 : f32 to vector<16xf32>
        %mul3A_945 = arith.mulf %get3A_943, %mul3A_944 : vector<16xf32>
        %swap3A_946 = arith.index_cast %add3A_926 : i32 to index
        %swap3A_947 = arith.constant 16 : index
        %swap3A_948 = tpu.vector_load %arg12[%swap3A_946, %swap3A_947] {strides = array<i32>} : memref<256x64xf32, #tpu.memory_space<vmem>>, vector<1x16xf32>,
        %swap3A_949 = vector.shape_cast %swap3A_948 : vector<1x16xf32> to vector<16xf32>
        %swap3A_950 = vector.shape_cast %mul3A_945 : vector<16xf32> to vector<1x16xf32>
        tpu.vector_store %arg12[%swap3A_946, %swap3A_947], %swap3A_950 {strides = array<i32>} : memref<256x64xf32, #tpu.memory_space<vmem>>, vector<1x16xf32>,
        %add3A_951 = arith.constant 32 : i32
        %add3A_952 = arith.addi %squeeze3A_920, %add3A_951 : i32
        %get3A_953 = arith.index_cast %add3A_952 : i32 to index
        %get3A_954 = tpu.vector_load %arg8[%get3A_953] {strides = array<i32>} : memref<32768xf32, #tpu.memory_space<vmem>>, vector<16xf32>,
        %get3A_955 = vector.shape_cast %get3A_954 : vector<16xf32> to vector<16xf32>
        %mul3A_956 = vector.broadcast %squeeze3A_922 : f32 to vector<16xf32>
        %mul3A_957 = arith.mulf %get3A_955, %mul3A_956 : vector<16xf32>
        %swap3A_958 = arith.index_cast %add3A_926 : i32 to index
        %swap3A_959 = arith.constant 32 : index
        %swap3A_960 = tpu.vector_load %arg12[%swap3A_958, %swap3A_959] {strides = array<i32>} : memref<256x64xf32, #tpu.memory_space<vmem>>, vector<1x16xf32>,
        %swap3A_961 = vector.shape_cast %swap3A_960 : vector<1x16xf32> to vector<16xf32>
        %swap3A_962 = vector.shape_cast %mul3A_957 : vector<16xf32> to vector<1x16xf32>
        tpu.vector_store %arg12[%swap3A_958, %swap3A_959], %swap3A_962 {strides = array<i32>} : memref<256x64xf32, #tpu.memory_space<vmem>>, vector<1x16xf32>,
        %add3A_963 = arith.constant 48 : i32
        %add3A_964 = arith.addi %squeeze3A_920, %add3A_963 : i32
        %get3A_965 = arith.index_cast %add3A_964 : i32 to index
        %get3A_966 = tpu.vector_load %arg8[%get3A_965] {strides = array<i32>} : memref<32768xf32, #tpu.memory_space<vmem>>, vector<16xf32>,
        %get3A_967 = vector.shape_cast %get3A_966 : vector<16xf32> to vector<16xf32>
        %mul3A_968 = vector.broadcast %squeeze3A_922 : f32 to vector<16xf32>
        %mul3A_969 = arith.mulf %get3A_967, %mul3A_968 : vector<16xf32>
        %swap3A_970 = arith.index_cast %add3A_926 : i32 to index
        %swap3A_971 = arith.constant 48 : index
        %swap3A_972 = tpu.vector_load %arg12[%swap3A_970, %swap3A_971] {strides = array<i32>} : memref<256x64xf32, #tpu.memory_space<vmem>>, vector<1x16xf32>,
        %swap3A_973 = vector.shape_cast %swap3A_972 : vector<1x16xf32> to vector<16xf32>
        %swap3A_974 = vector.shape_cast %mul3A_969 : vector<16xf32> to vector<1x16xf32>
        tpu.vector_store %arg12[%swap3A_970, %swap3A_971], %swap3A_974 {strides = array<i32>} : memref<256x64xf32, #tpu.memory_space<vmem>>, vector<1x16xf32>,
        %scan3A_975 = arith.constant 0 : i32
        scf.yield %scan3A_975 : i32
      }
      %scan3A_55 = arith.constant 16 : i32
      %dma_wait3A_56 = arith.constant 0 : i32
      %dma_wait3A_57 = tpu.memref_slice %arg2[%multiple_of3A, %dma_wait3A_56] : memref<13312x32xi32, #tpu.memory_space<hbm>> -> memref<8x32xi32, #tpu.memory_space<hbm>>
      %dma_wait3A_58 = arith.constant 0 : i32
      %dma_wait3A_59 = tpu.memref_slice %arg2[%multiple_of3A, %dma_wait3A_58] : memref<13312x32xi32, #tpu.memory_space<hbm>> -> memref<8x32xi32, #tpu.memory_space<hbm>>
      tpu.wait_dma2 semaphore(%arg16 : memref<!tpu.dma_semaphore, #tpu.memory_space<semaphore_mem>>) src(%dma_wait3A_59 : memref<8x32xi32, #tpu.memory_space<hbm>>) dst(%arg11 : memref<8x32xi32, #tpu.memory_space<vmem>>)
      %run_scoped3A = arith.constant 0 : i32
      "tpu.region"() ({
        %run_scoped3A_68 = tpu.sem_alloc : memref<!tpu.dma_semaphore, #tpu.memory_space<semaphore_mem>>
        %dma_start3A_69 = arith.constant 0 : i32
        %dma_start3A_70 = arith.constant 0 : i32
        %dma_start3A_71 = tpu.memref_slice %arg12[%dma_start3A_69, %dma_start3A_70] : memref<256x64xf32, #tpu.memory_space<vmem>> -> memref<32x64xf32, #tpu.memory_space<vmem>>
        %dma_start3A_72 = arith.constant 0 : i32
        %dma_start3A_73 = tpu.memref_slice %arg11[%run_scoped3A, %dma_start3A_72] : memref<8x32xi32, #tpu.memory_space<vmem>> -> memref<1x32xi32, #tpu.memory_space<vmem>>
        %dma_start3A_74 = tpu.memref_squeeze %dma_start3A_73 : memref<1x32xi32, #tpu.memory_space<vmem>> -> memref<32xi32, #tpu.memory_space<vmem>>
        %dma_start3A_75 = arith.constant 0 : i32
        %dma_start3A_76 = arith.constant 0 : i32
        %dma_start3A_77 = tpu.memref_slice %arg13[%dma_start3A_75, %dma_start3A_76] : memref<16384x64xf32, #tpu.memory_space<vmem_shared>> -> memref<16384x64xf32, #tpu.memory_space<vmem_shared>>
        tpu.enqueue_indirect_dma source(%dma_start3A_71 : memref<32x64xf32, #tpu.memory_space<vmem>>) target(%dma_start3A_77 : memref<16384x64xf32, #tpu.memory_space<vmem_shared>>) offsets(%dma_start3A_74 : memref<32xi32, #tpu.memory_space<vmem>>) semaphore(%run_scoped3A_68 : memref<!tpu.dma_semaphore, #tpu.memory_space<semaphore_mem>>) {add = true}
        %dma_wait3A_78 = arith.constant 0 : i32
        %dma_wait3A_79 = arith.constant 0 : i32
        %dma_wait3A_80 = tpu.memref_slice %arg12[%dma_wait3A_78, %dma_wait3A_79] : memref<256x64xf32, #tpu.memory_space<vmem>> -> memref<32x64xf32, #tpu.memory_space<vmem>>
        %dma_wait3A_81 = arith.constant 0 : i32
        %dma_wait3A_82 = tpu.memref_slice %arg11[%run_scoped3A, %dma_wait3A_81] : memref<8x32xi32, #tpu.memory_space<vmem>> -> memref<1x32xi32, #tpu.memory_space<vmem>>
        %dma_wait3A_83 = tpu.memref_squeeze %dma_wait3A_82 : memref<1x32xi32, #tpu.memory_space<vmem>> -> memref<32xi32, #tpu.memory_space<vmem>>
        %dma_wait3A_84 = arith.constant 0 : i32
        %dma_wait3A_85 = arith.constant 0 : i32
        %dma_wait3A_86 = tpu.memref_slice %arg13[%dma_wait3A_84, %dma_wait3A_85] : memref<16384x64xf32, #tpu.memory_space<vmem_shared>> -> memref<16384x64xf32, #tpu.memory_space<vmem_shared>>
        tpu.wait_indirect_dma semaphore(%run_scoped3A_68 : memref<!tpu.dma_semaphore, #tpu.memory_space<semaphore_mem>>) src(%dma_wait3A_80 : memref<32x64xf32, #tpu.memory_space<vmem>>) dst(%dma_wait3A_86 : memref<16384x64xf32, #tpu.memory_space<vmem_shared>>)
        tpu.yield
      }) : () -> ()
      %run_scoped3A_60 = arith.constant 1 : i32
      "tpu.region"() ({
        %run_scoped3A_68 = tpu.sem_alloc : memref<!tpu.dma_semaphore, #tpu.memory_space<semaphore_mem>>
        %dma_start3A_69 = arith.constant 32 : i32
        %dma_start3A_70 = arith.constant 0 : i32
        %dma_start3A_71 = tpu.memref_slice %arg12[%dma_start3A_69, %dma_start3A_70] : memref<256x64xf32, #tpu.memory_space<vmem>> -> memref<32x64xf32, #tpu.memory_space<vmem>>
        %dma_start3A_72 = arith.constant 0 : i32
        %dma_start3A_73 = tpu.memref_slice %arg11[%run_scoped3A_60, %dma_start3A_72] : memref<8x32xi32, #tpu.memory_space<vmem>> -> memref<1x32xi32, #tpu.memory_space<vmem>>
        %dma_start3A_74 = tpu.memref_squeeze %dma_start3A_73 : memref<1x32xi32, #tpu.memory_space<vmem>> -> memref<32xi32, #tpu.memory_space<vmem>>
        %dma_start3A_75 = arith.constant 0 : i32
        %dma_start3A_76 = arith.constant 0 : i32
        %dma_start3A_77 = tpu.memref_slice %arg13[%dma_start3A_75, %dma_start3A_76] : memref<16384x64xf32, #tpu.memory_space<vmem_shared>> -> memref<16384x64xf32, #tpu.memory_space<vmem_shared>>
        tpu.enqueue_indirect_dma source(%dma_start3A_71 : memref<32x64xf32, #tpu.memory_space<vmem>>) target(%dma_start3A_77 : memref<16384x64xf32, #tpu.memory_space<vmem_shared>>) offsets(%dma_start3A_74 : memref<32xi32, #tpu.memory_space<vmem>>) semaphore(%run_scoped3A_68 : memref<!tpu.dma_semaphore, #tpu.memory_space<semaphore_mem>>) {add = true}
        %dma_wait3A_78 = arith.constant 32 : i32
        %dma_wait3A_79 = arith.constant 0 : i32
        %dma_wait3A_80 = tpu.memref_slice %arg12[%dma_wait3A_78, %dma_wait3A_79] : memref<256x64xf32, #tpu.memory_space<vmem>> -> memref<32x64xf32, #tpu.memory_space<vmem>>
        %dma_wait3A_81 = arith.constant 0 : i32
        %dma_wait3A_82 = tpu.memref_slice %arg11[%run_scoped3A_60, %dma_wait3A_81] : memref<8x32xi32, #tpu.memory_space<vmem>> -> memref<1x32xi32, #tpu.memory_space<vmem>>
        %dma_wait3A_83 = tpu.memref_squeeze %dma_wait3A_82 : memref<1x32xi32, #tpu.memory_space<vmem>> -> memref<32xi32, #tpu.memory_space<vmem>>
        %dma_wait3A_84 = arith.constant 0 : i32
        %dma_wait3A_85 = arith.constant 0 : i32
        %dma_wait3A_86 = tpu.memref_slice %arg13[%dma_wait3A_84, %dma_wait3A_85] : memref<16384x64xf32, #tpu.memory_space<vmem_shared>> -> memref<16384x64xf32, #tpu.memory_space<vmem_shared>>
        tpu.wait_indirect_dma semaphore(%run_scoped3A_68 : memref<!tpu.dma_semaphore, #tpu.memory_space<semaphore_mem>>) src(%dma_wait3A_80 : memref<32x64xf32, #tpu.memory_space<vmem>>) dst(%dma_wait3A_86 : memref<16384x64xf32, #tpu.memory_space<vmem_shared>>)
        tpu.yield
      }) : () -> ()
      %run_scoped3A_61 = arith.constant 2 : i32
      "tpu.region"() ({
        %run_scoped3A_68 = tpu.sem_alloc : memref<!tpu.dma_semaphore, #tpu.memory_space<semaphore_mem>>
        %dma_start3A_69 = arith.constant 64 : i32
        %dma_start3A_70 = arith.constant 0 : i32
        %dma_start3A_71 = tpu.memref_slice %arg12[%dma_start3A_69, %dma_start3A_70] : memref<256x64xf32, #tpu.memory_space<vmem>> -> memref<32x64xf32, #tpu.memory_space<vmem>>
        %dma_start3A_72 = arith.constant 0 : i32
        %dma_start3A_73 = tpu.memref_slice %arg11[%run_scoped3A_61, %dma_start3A_72] : memref<8x32xi32, #tpu.memory_space<vmem>> -> memref<1x32xi32, #tpu.memory_space<vmem>>
        %dma_start3A_74 = tpu.memref_squeeze %dma_start3A_73 : memref<1x32xi32, #tpu.memory_space<vmem>> -> memref<32xi32, #tpu.memory_space<vmem>>
        %dma_start3A_75 = arith.constant 0 : i32
        %dma_start3A_76 = arith.constant 0 : i32
        %dma_start3A_77 = tpu.memref_slice %arg13[%dma_start3A_75, %dma_start3A_76] : memref<16384x64xf32, #tpu.memory_space<vmem_shared>> -> memref<16384x64xf32, #tpu.memory_space<vmem_shared>>
        tpu.enqueue_indirect_dma source(%dma_start3A_71 : memref<32x64xf32, #tpu.memory_space<vmem>>) target(%dma_start3A_77 : memref<16384x64xf32, #tpu.memory_space<vmem_shared>>) offsets(%dma_start3A_74 : memref<32xi32, #tpu.memory_space<vmem>>) semaphore(%run_scoped3A_68 : memref<!tpu.dma_semaphore, #tpu.memory_space<semaphore_mem>>) {add = true}
        %dma_wait3A_78 = arith.constant 64 : i32
        %dma_wait3A_79 = arith.constant 0 : i32
        %dma_wait3A_80 = tpu.memref_slice %arg12[%dma_wait3A_78, %dma_wait3A_79] : memref<256x64xf32, #tpu.memory_space<vmem>> -> memref<32x64xf32, #tpu.memory_space<vmem>>
        %dma_wait3A_81 = arith.constant 0 : i32
        %dma_wait3A_82 = tpu.memref_slice %arg11[%run_scoped3A_61, %dma_wait3A_81] : memref<8x32xi32, #tpu.memory_space<vmem>> -> memref<1x32xi32, #tpu.memory_space<vmem>>
        %dma_wait3A_83 = tpu.memref_squeeze %dma_wait3A_82 : memref<1x32xi32, #tpu.memory_space<vmem>> -> memref<32xi32, #tpu.memory_space<vmem>>
        %dma_wait3A_84 = arith.constant 0 : i32
        %dma_wait3A_85 = arith.constant 0 : i32
        %dma_wait3A_86 = tpu.memref_slice %arg13[%dma_wait3A_84, %dma_wait3A_85] : memref<16384x64xf32, #tpu.memory_space<vmem_shared>> -> memref<16384x64xf32, #tpu.memory_space<vmem_shared>>
        tpu.wait_indirect_dma semaphore(%run_scoped3A_68 : memref<!tpu.dma_semaphore, #tpu.memory_space<semaphore_mem>>) src(%dma_wait3A_80 : memref<32x64xf32, #tpu.memory_space<vmem>>) dst(%dma_wait3A_86 : memref<16384x64xf32, #tpu.memory_space<vmem_shared>>)
        tpu.yield
      }) : () -> ()
      %run_scoped3A_62 = arith.constant 3 : i32
      "tpu.region"() ({
        %run_scoped3A_68 = tpu.sem_alloc : memref<!tpu.dma_semaphore, #tpu.memory_space<semaphore_mem>>
        %dma_start3A_69 = arith.constant 96 : i32
        %dma_start3A_70 = arith.constant 0 : i32
        %dma_start3A_71 = tpu.memref_slice %arg12[%dma_start3A_69, %dma_start3A_70] : memref<256x64xf32, #tpu.memory_space<vmem>> -> memref<32x64xf32, #tpu.memory_space<vmem>>
        %dma_start3A_72 = arith.constant 0 : i32
        %dma_start3A_73 = tpu.memref_slice %arg11[%run_scoped3A_62, %dma_start3A_72] : memref<8x32xi32, #tpu.memory_space<vmem>> -> memref<1x32xi32, #tpu.memory_space<vmem>>
        %dma_start3A_74 = tpu.memref_squeeze %dma_start3A_73 : memref<1x32xi32, #tpu.memory_space<vmem>> -> memref<32xi32, #tpu.memory_space<vmem>>
        %dma_start3A_75 = arith.constant 0 : i32
        %dma_start3A_76 = arith.constant 0 : i32
        %dma_start3A_77 = tpu.memref_slice %arg13[%dma_start3A_75, %dma_start3A_76] : memref<16384x64xf32, #tpu.memory_space<vmem_shared>> -> memref<16384x64xf32, #tpu.memory_space<vmem_shared>>
        tpu.enqueue_indirect_dma source(%dma_start3A_71 : memref<32x64xf32, #tpu.memory_space<vmem>>) target(%dma_start3A_77 : memref<16384x64xf32, #tpu.memory_space<vmem_shared>>) offsets(%dma_start3A_74 : memref<32xi32, #tpu.memory_space<vmem>>) semaphore(%run_scoped3A_68 : memref<!tpu.dma_semaphore, #tpu.memory_space<semaphore_mem>>) {add = true}
        %dma_wait3A_78 = arith.constant 96 : i32
        %dma_wait3A_79 = arith.constant 0 : i32
        %dma_wait3A_80 = tpu.memref_slice %arg12[%dma_wait3A_78, %dma_wait3A_79] : memref<256x64xf32, #tpu.memory_space<vmem>> -> memref<32x64xf32, #tpu.memory_space<vmem>>
        %dma_wait3A_81 = arith.constant 0 : i32
        %dma_wait3A_82 = tpu.memref_slice %arg11[%run_scoped3A_62, %dma_wait3A_81] : memref<8x32xi32, #tpu.memory_space<vmem>> -> memref<1x32xi32, #tpu.memory_space<vmem>>
        %dma_wait3A_83 = tpu.memref_squeeze %dma_wait3A_82 : memref<1x32xi32, #tpu.memory_space<vmem>> -> memref<32xi32, #tpu.memory_space<vmem>>
        %dma_wait3A_84 = arith.constant 0 : i32
        %dma_wait3A_85 = arith.constant 0 : i32
        %dma_wait3A_86 = tpu.memref_slice %arg13[%dma_wait3A_84, %dma_wait3A_85] : memref<16384x64xf32, #tpu.memory_space<vmem_shared>> -> memref<16384x64xf32, #tpu.memory_space<vmem_shared>>
        tpu.wait_indirect_dma semaphore(%run_scoped3A_68 : memref<!tpu.dma_semaphore, #tpu.memory_space<semaphore_mem>>) src(%dma_wait3A_80 : memref<32x64xf32, #tpu.memory_space<vmem>>) dst(%dma_wait3A_86 : memref<16384x64xf32, #tpu.memory_space<vmem_shared>>)
        tpu.yield
      }) : () -> ()
      %run_scoped3A_63 = arith.constant 4 : i32
      "tpu.region"() ({
        %run_scoped3A_68 = tpu.sem_alloc : memref<!tpu.dma_semaphore, #tpu.memory_space<semaphore_mem>>
        %dma_start3A_69 = arith.constant 128 : i32
        %dma_start3A_70 = arith.constant 0 : i32
        %dma_start3A_71 = tpu.memref_slice %arg12[%dma_start3A_69, %dma_start3A_70] : memref<256x64xf32, #tpu.memory_space<vmem>> -> memref<32x64xf32, #tpu.memory_space<vmem>>
        %dma_start3A_72 = arith.constant 0 : i32
        %dma_start3A_73 = tpu.memref_slice %arg11[%run_scoped3A_63, %dma_start3A_72] : memref<8x32xi32, #tpu.memory_space<vmem>> -> memref<1x32xi32, #tpu.memory_space<vmem>>
        %dma_start3A_74 = tpu.memref_squeeze %dma_start3A_73 : memref<1x32xi32, #tpu.memory_space<vmem>> -> memref<32xi32, #tpu.memory_space<vmem>>
        %dma_start3A_75 = arith.constant 0 : i32
        %dma_start3A_76 = arith.constant 0 : i32
        %dma_start3A_77 = tpu.memref_slice %arg13[%dma_start3A_75, %dma_start3A_76] : memref<16384x64xf32, #tpu.memory_space<vmem_shared>> -> memref<16384x64xf32, #tpu.memory_space<vmem_shared>>
        tpu.enqueue_indirect_dma source(%dma_start3A_71 : memref<32x64xf32, #tpu.memory_space<vmem>>) target(%dma_start3A_77 : memref<16384x64xf32, #tpu.memory_space<vmem_shared>>) offsets(%dma_start3A_74 : memref<32xi32, #tpu.memory_space<vmem>>) semaphore(%run_scoped3A_68 : memref<!tpu.dma_semaphore, #tpu.memory_space<semaphore_mem>>) {add = true}
        %dma_wait3A_78 = arith.constant 128 : i32
        %dma_wait3A_79 = arith.constant 0 : i32
        %dma_wait3A_80 = tpu.memref_slice %arg12[%dma_wait3A_78, %dma_wait3A_79] : memref<256x64xf32, #tpu.memory_space<vmem>> -> memref<32x64xf32, #tpu.memory_space<vmem>>
        %dma_wait3A_81 = arith.constant 0 : i32
        %dma_wait3A_82 = tpu.memref_slice %arg11[%run_scoped3A_63, %dma_wait3A_81] : memref<8x32xi32, #tpu.memory_space<vmem>> -> memref<1x32xi32, #tpu.memory_space<vmem>>
        %dma_wait3A_83 = tpu.memref_squeeze %dma_wait3A_82 : memref<1x32xi32, #tpu.memory_space<vmem>> -> memref<32xi32, #tpu.memory_space<vmem>>
        %dma_wait3A_84 = arith.constant 0 : i32
        %dma_wait3A_85 = arith.constant 0 : i32
        %dma_wait3A_86 = tpu.memref_slice %arg13[%dma_wait3A_84, %dma_wait3A_85] : memref<16384x64xf32, #tpu.memory_space<vmem_shared>> -> memref<16384x64xf32, #tpu.memory_space<vmem_shared>>
        tpu.wait_indirect_dma semaphore(%run_scoped3A_68 : memref<!tpu.dma_semaphore, #tpu.memory_space<semaphore_mem>>) src(%dma_wait3A_80 : memref<32x64xf32, #tpu.memory_space<vmem>>) dst(%dma_wait3A_86 : memref<16384x64xf32, #tpu.memory_space<vmem_shared>>)
        tpu.yield
      }) : () -> ()
      %run_scoped3A_64 = arith.constant 5 : i32
      "tpu.region"() ({
        %run_scoped3A_68 = tpu.sem_alloc : memref<!tpu.dma_semaphore, #tpu.memory_space<semaphore_mem>>
        %dma_start3A_69 = arith.constant 160 : i32
        %dma_start3A_70 = arith.constant 0 : i32
        %dma_start3A_71 = tpu.memref_slice %arg12[%dma_start3A_69, %dma_start3A_70] : memref<256x64xf32, #tpu.memory_space<vmem>> -> memref<32x64xf32, #tpu.memory_space<vmem>>
        %dma_start3A_72 = arith.constant 0 : i32
        %dma_start3A_73 = tpu.memref_slice %arg11[%run_scoped3A_64, %dma_start3A_72] : memref<8x32xi32, #tpu.memory_space<vmem>> -> memref<1x32xi32, #tpu.memory_space<vmem>>
        %dma_start3A_74 = tpu.memref_squeeze %dma_start3A_73 : memref<1x32xi32, #tpu.memory_space<vmem>> -> memref<32xi32, #tpu.memory_space<vmem>>
        %dma_start3A_75 = arith.constant 0 : i32
        %dma_start3A_76 = arith.constant 0 : i32
        %dma_start3A_77 = tpu.memref_slice %arg13[%dma_start3A_75, %dma_start3A_76] : memref<16384x64xf32, #tpu.memory_space<vmem_shared>> -> memref<16384x64xf32, #tpu.memory_space<vmem_shared>>
        tpu.enqueue_indirect_dma source(%dma_start3A_71 : memref<32x64xf32, #tpu.memory_space<vmem>>) target(%dma_start3A_77 : memref<16384x64xf32, #tpu.memory_space<vmem_shared>>) offsets(%dma_start3A_74 : memref<32xi32, #tpu.memory_space<vmem>>) semaphore(%run_scoped3A_68 : memref<!tpu.dma_semaphore, #tpu.memory_space<semaphore_mem>>) {add = true}
        %dma_wait3A_78 = arith.constant 160 : i32
        %dma_wait3A_79 = arith.constant 0 : i32
        %dma_wait3A_80 = tpu.memref_slice %arg12[%dma_wait3A_78, %dma_wait3A_79] : memref<256x64xf32, #tpu.memory_space<vmem>> -> memref<32x64xf32, #tpu.memory_space<vmem>>
        %dma_wait3A_81 = arith.constant 0 : i32
        %dma_wait3A_82 = tpu.memref_slice %arg11[%run_scoped3A_64, %dma_wait3A_81] : memref<8x32xi32, #tpu.memory_space<vmem>> -> memref<1x32xi32, #tpu.memory_space<vmem>>
        %dma_wait3A_83 = tpu.memref_squeeze %dma_wait3A_82 : memref<1x32xi32, #tpu.memory_space<vmem>> -> memref<32xi32, #tpu.memory_space<vmem>>
        %dma_wait3A_84 = arith.constant 0 : i32
        %dma_wait3A_85 = arith.constant 0 : i32
        %dma_wait3A_86 = tpu.memref_slice %arg13[%dma_wait3A_84, %dma_wait3A_85] : memref<16384x64xf32, #tpu.memory_space<vmem_shared>> -> memref<16384x64xf32, #tpu.memory_space<vmem_shared>>
        tpu.wait_indirect_dma semaphore(%run_scoped3A_68 : memref<!tpu.dma_semaphore, #tpu.memory_space<semaphore_mem>>) src(%dma_wait3A_80 : memref<32x64xf32, #tpu.memory_space<vmem>>) dst(%dma_wait3A_86 : memref<16384x64xf32, #tpu.memory_space<vmem_shared>>)
        tpu.yield
      }) : () -> ()
      %run_scoped3A_65 = arith.constant 6 : i32
      "tpu.region"() ({
        %run_scoped3A_68 = tpu.sem_alloc : memref<!tpu.dma_semaphore, #tpu.memory_space<semaphore_mem>>
        %dma_start3A_69 = arith.constant 192 : i32
        %dma_start3A_70 = arith.constant 0 : i32
        %dma_start3A_71 = tpu.memref_slice %arg12[%dma_start3A_69, %dma_start3A_70] : memref<256x64xf32, #tpu.memory_space<vmem>> -> memref<32x64xf32, #tpu.memory_space<vmem>>
        %dma_start3A_72 = arith.constant 0 : i32
        %dma_start3A_73 = tpu.memref_slice %arg11[%run_scoped3A_65, %dma_start3A_72] : memref<8x32xi32, #tpu.memory_space<vmem>> -> memref<1x32xi32, #tpu.memory_space<vmem>>
        %dma_start3A_74 = tpu.memref_squeeze %dma_start3A_73 : memref<1x32xi32, #tpu.memory_space<vmem>> -> memref<32xi32, #tpu.memory_space<vmem>>
        %dma_start3A_75 = arith.constant 0 : i32
        %dma_start3A_76 = arith.constant 0 : i32
        %dma_start3A_77 = tpu.memref_slice %arg13[%dma_start3A_75, %dma_start3A_76] : memref<16384x64xf32, #tpu.memory_space<vmem_shared>> -> memref<16384x64xf32, #tpu.memory_space<vmem_shared>>
        tpu.enqueue_indirect_dma source(%dma_start3A_71 : memref<32x64xf32, #tpu.memory_space<vmem>>) target(%dma_start3A_77 : memref<16384x64xf32, #tpu.memory_space<vmem_shared>>) offsets(%dma_start3A_74 : memref<32xi32, #tpu.memory_space<vmem>>) semaphore(%run_scoped3A_68 : memref<!tpu.dma_semaphore, #tpu.memory_space<semaphore_mem>>) {add = true}
        %dma_wait3A_78 = arith.constant 192 : i32
        %dma_wait3A_79 = arith.constant 0 : i32
        %dma_wait3A_80 = tpu.memref_slice %arg12[%dma_wait3A_78, %dma_wait3A_79] : memref<256x64xf32, #tpu.memory_space<vmem>> -> memref<32x64xf32, #tpu.memory_space<vmem>>
        %dma_wait3A_81 = arith.constant 0 : i32
        %dma_wait3A_82 = tpu.memref_slice %arg11[%run_scoped3A_65, %dma_wait3A_81] : memref<8x32xi32, #tpu.memory_space<vmem>> -> memref<1x32xi32, #tpu.memory_space<vmem>>
        %dma_wait3A_83 = tpu.memref_squeeze %dma_wait3A_82 : memref<1x32xi32, #tpu.memory_space<vmem>> -> memref<32xi32, #tpu.memory_space<vmem>>
        %dma_wait3A_84 = arith.constant 0 : i32
        %dma_wait3A_85 = arith.constant 0 : i32
        %dma_wait3A_86 = tpu.memref_slice %arg13[%dma_wait3A_84, %dma_wait3A_85] : memref<16384x64xf32, #tpu.memory_space<vmem_shared>> -> memref<16384x64xf32, #tpu.memory_space<vmem_shared>>
        tpu.wait_indirect_dma semaphore(%run_scoped3A_68 : memref<!tpu.dma_semaphore, #tpu.memory_space<semaphore_mem>>) src(%dma_wait3A_80 : memref<32x64xf32, #tpu.memory_space<vmem>>) dst(%dma_wait3A_86 : memref<16384x64xf32, #tpu.memory_space<vmem_shared>>)
        tpu.yield
      }) : () -> ()
      %run_scoped3A_66 = arith.constant 7 : i32
      "tpu.region"() ({
        %run_scoped3A_68 = tpu.sem_alloc : memref<!tpu.dma_semaphore, #tpu.memory_space<semaphore_mem>>
        %dma_start3A_69 = arith.constant 224 : i32
        %dma_start3A_70 = arith.constant 0 : i32
        %dma_start3A_71 = tpu.memref_slice %arg12[%dma_start3A_69, %dma_start3A_70] : memref<256x64xf32, #tpu.memory_space<vmem>> -> memref<32x64xf32, #tpu.memory_space<vmem>>
        %dma_start3A_72 = arith.constant 0 : i32
        %dma_start3A_73 = tpu.memref_slice %arg11[%run_scoped3A_66, %dma_start3A_72] : memref<8x32xi32, #tpu.memory_space<vmem>> -> memref<1x32xi32, #tpu.memory_space<vmem>>
        %dma_start3A_74 = tpu.memref_squeeze %dma_start3A_73 : memref<1x32xi32, #tpu.memory_space<vmem>> -> memref<32xi32, #tpu.memory_space<vmem>>
        %dma_start3A_75 = arith.constant 0 : i32
        %dma_start3A_76 = arith.constant 0 : i32
        %dma_start3A_77 = tpu.memref_slice %arg13[%dma_start3A_75, %dma_start3A_76] : memref<16384x64xf32, #tpu.memory_space<vmem_shared>> -> memref<16384x64xf32, #tpu.memory_space<vmem_shared>>
        tpu.enqueue_indirect_dma source(%dma_start3A_71 : memref<32x64xf32, #tpu.memory_space<vmem>>) target(%dma_start3A_77 : memref<16384x64xf32, #tpu.memory_space<vmem_shared>>) offsets(%dma_start3A_74 : memref<32xi32, #tpu.memory_space<vmem>>) semaphore(%run_scoped3A_68 : memref<!tpu.dma_semaphore, #tpu.memory_space<semaphore_mem>>) {add = true}
        %dma_wait3A_78 = arith.constant 224 : i32
        %dma_wait3A_79 = arith.constant 0 : i32
        %dma_wait3A_80 = tpu.memref_slice %arg12[%dma_wait3A_78, %dma_wait3A_79] : memref<256x64xf32, #tpu.memory_space<vmem>> -> memref<32x64xf32, #tpu.memory_space<vmem>>
        %dma_wait3A_81 = arith.constant 0 : i32
        %dma_wait3A_82 = tpu.memref_slice %arg11[%run_scoped3A_66, %dma_wait3A_81] : memref<8x32xi32, #tpu.memory_space<vmem>> -> memref<1x32xi32, #tpu.memory_space<vmem>>
        %dma_wait3A_83 = tpu.memref_squeeze %dma_wait3A_82 : memref<1x32xi32, #tpu.memory_space<vmem>> -> memref<32xi32, #tpu.memory_space<vmem>>
        %dma_wait3A_84 = arith.constant 0 : i32
        %dma_wait3A_85 = arith.constant 0 : i32
        %dma_wait3A_86 = tpu.memref_slice %arg13[%dma_wait3A_84, %dma_wait3A_85] : memref<16384x64xf32, #tpu.memory_space<vmem_shared>> -> memref<16384x64xf32, #tpu.memory_space<vmem_shared>>
        tpu.wait_indirect_dma semaphore(%run_scoped3A_68 : memref<!tpu.dma_semaphore, #tpu.memory_space<semaphore_mem>>) src(%dma_wait3A_80 : memref<32x64xf32, #tpu.memory_space<vmem>>) dst(%dma_wait3A_86 : memref<16384x64xf32, #tpu.memory_space<vmem_shared>>)
        tpu.yield
      }) : () -> ()
      %scan3A_67 = arith.constant 0 : i32
      scf.yield %scan3A_67 : i32
    }
    %scan3A_10 = arith.constant 52 : i32
    %barrier3A_11 = arith.constant 0 : index
    tpu.barrier barrier_id(%barrier3A_11)
    %mul3A_12 = arith.constant 1024 : i32
    %mul3A_13 = arith.muli %arg1, %mul3A_12 : i32
    %mul3A_14 = arith.constant 1024 : i32
    %mul3A_15 = arith.muli %arg1, %mul3A_14 : i32
    "tpu.region"() ({
      %run_scoped3A = tpu.sem_alloc : memref<!tpu.dma_semaphore, #tpu.memory_space<semaphore_mem>>
      %dma_start3A = arith.constant 0 : i32
      %dma_start3A_16 = tpu.memref_slice %arg7[%arg0, %mul3A_15, %dma_start3A] : memref<2x16384x64xf32, #tpu.memory_space<hbm>> -> memref<1x1024x64xf32, #tpu.memory_space<hbm>>
      %dma_start3A_17 = tpu.memref_squeeze %dma_start3A_16 : memref<1x1024x64xf32, #tpu.memory_space<hbm>> -> memref<1024x64xf32, #tpu.memory_space<hbm>>
      %dma_start3A_18 = arith.constant 0 : i32
      %dma_start3A_19 = tpu.memref_slice %arg13[%mul3A_13, %dma_start3A_18] : memref<16384x64xf32, #tpu.memory_space<vmem_shared>> -> memref<1024x64xf32, #tpu.memory_space<vmem_shared>>
      tpu.enqueue_dma source(%dma_start3A_19 : memref<1024x64xf32, #tpu.memory_space<vmem_shared>>) target(%dma_start3A_17 : memref<1024x64xf32, #tpu.memory_space<hbm>>) target_semaphore(%run_scoped3A : memref<!tpu.dma_semaphore, #tpu.memory_space<semaphore_mem>>)
      %dma_wait3A = arith.constant 0 : i32
      %dma_wait3A_20 = tpu.memref_slice %arg7[%arg0, %mul3A_15, %dma_wait3A] : memref<2x16384x64xf32, #tpu.memory_space<hbm>> -> memref<1x1024x64xf32, #tpu.memory_space<hbm>>
      %dma_wait3A_21 = tpu.memref_squeeze %dma_wait3A_20 : memref<1x1024x64xf32, #tpu.memory_space<hbm>> -> memref<1024x64xf32, #tpu.memory_space<hbm>>
      %dma_wait3A_22 = arith.constant 0 : i32
      %dma_wait3A_23 = tpu.memref_slice %arg13[%mul3A_13, %dma_wait3A_22] : memref<16384x64xf32, #tpu.memory_space<vmem_shared>> -> memref<1024x64xf32, #tpu.memory_space<vmem_shared>>
      tpu.wait_dma2 semaphore(%run_scoped3A : memref<!tpu.dma_semaphore, #tpu.memory_space<semaphore_mem>>) src(%dma_wait3A_23 : memref<1024x64xf32, #tpu.memory_space<vmem_shared>>) dst(%dma_wait3A_21 : memref<1024x64xf32, #tpu.memory_space<hbm>>)
      tpu.yield
    }) : () -> ()
    return
  }
}

module attributes {stable_mosaic.version = 14 : i64} {
  func.func @head_kernel(%arg0: i32, %arg1: memref<2x2048x64xf32, #tpu.memory_space<vmem>>, %arg2: memref<1x64xf32, #tpu.memory_space<vmem>>, %arg3: memref<64x3xf32, #tpu.memory_space<vmem>>, %arg4: memref<1x3xf32, #tpu.memory_space<vmem>>, %arg5: memref<2048x3xf32, #tpu.memory_space<vmem>>) attributes {dimension_semantics = [#tpu.dimension_semantics<arbitrary>], iteration_bounds = array<i64: 8>, scalar_prefetch = 0 : i64, scratch_operands = 0 : i64, tpu.core_type = #tpu.core_type<tc>, window_params = [{transform_indices = @transform_0, window_bounds = array<i64: 2, 2048, 64>}, {pipeline_mode = #tpu.pipeline_mode<synchronous>, transform_indices = @transform_1, window_bounds = array<i64: 1, 64>}, {pipeline_mode = #tpu.pipeline_mode<synchronous>, transform_indices = @transform_2, window_bounds = array<i64: 64, 3>}, {pipeline_mode = #tpu.pipeline_mode<synchronous>, transform_indices = @transform_3, window_bounds = array<i64: 1, 3>}, {transform_indices = @transform_4, window_bounds = array<i64: 2048, 3>}]} {
    %get3A = arith.constant 0 : index
    %get3A_0 = arith.constant 0 : index
    %get3A_1 = arith.constant 0 : index
    %get3A_2 = vector.load %arg1[%get3A, %get3A_0, %get3A_1] : memref<2x2048x64xf32, #tpu.memory_space<vmem>>, vector<1x2048x64xf32>
    %get3A_3 = vector.shape_cast %get3A_2 : vector<1x2048x64xf32> to vector<2048x64xf32>
    %get3A_4 = arith.constant 1 : index
    %get3A_5 = arith.constant 0 : index
    %get3A_6 = arith.constant 0 : index
    %get3A_7 = vector.load %arg1[%get3A_4, %get3A_5, %get3A_6] : memref<2x2048x64xf32, #tpu.memory_space<vmem>>, vector<1x2048x64xf32>
    %get3A_8 = vector.shape_cast %get3A_7 : vector<1x2048x64xf32> to vector<2048x64xf32>
    %add3A = arith.addf %get3A_3, %get3A_8 : vector<2048x64xf32>
    %get3A_9 = arith.constant 0 : index
    %get3A_10 = arith.constant 0 : index
    %get3A_11 = vector.load %arg2[%get3A_9, %get3A_10] : memref<1x64xf32, #tpu.memory_space<vmem>>, vector<1x64xf32>
    %add3A_12 = vector.broadcast %get3A_11 : vector<1x64xf32> to vector<2048x64xf32>
    %add3A_13 = arith.addf %add3A, %add3A_12 : vector<2048x64xf32>
    %gt3A = arith.constant 0.000000e+00 : f32
    %gt3A_14 = vector.broadcast %gt3A : f32 to vector<2048x64xf32>
    %gt3A_15 = arith.cmpf ogt, %add3A_13, %gt3A_14 : vector<2048x64xf32>
    %jit3A = arith.constant 1.000000e+00 : f32
    %jit3A_16 = arith.constant 5.000000e-01 : f32
    %broadcast_in_dim3A = vector.broadcast %jit3A : f32 to vector<2048x64xf32>
    %broadcast_in_dim3A_17 = vector.broadcast %jit3A_16 : f32 to vector<2048x64xf32>
    %select_n3A = arith.select %gt3A_15, %broadcast_in_dim3A, %broadcast_in_dim3A_17 : vector<2048x64xi1>, vector<2048x64xf32>
    %mul3A = arith.mulf %add3A_13, %select_n3A : vector<2048x64xf32>
    %max3A = arith.constant 0.000000e+00 : f32
    %max3A_18 = vector.broadcast %max3A : f32 to vector<2048x64xf32>
    %max3A_19 = arith.maximumf %mul3A, %max3A_18 : vector<2048x64xf32>
    %get3A_20 = arith.constant 0 : index
    %get3A_21 = arith.constant 0 : index
    %get3A_22 = vector.load %arg3[%get3A_20, %get3A_21] : memref<64x3xf32, #tpu.memory_space<vmem>>, vector<64x3xf32>
    %dot_general3A = arith.constant dense<0.000000e+00> : vector<2048x3xf32>
    %dot_general3A_23 = tpu.matmul %max3A_19, %get3A_22, %dot_general3A {dimension_numbers = #tpu.dot_dimension_numbers<[1], [0], [0], [1], [0, 0, 1, 1], [], []>, transpose_lhs_hint = false} : vector<2048x64xf32>, vector<64x3xf32>, vector<2048x3xf32> -> vector<2048x3xf32>
    %get3A_24 = arith.constant 0 : index
    %get3A_25 = arith.constant 0 : index
    %get3A_26 = vector.load %arg4[%get3A_24, %get3A_25] : memref<1x3xf32, #tpu.memory_space<vmem>>, vector<1x3xf32>
    %add3A_27 = vector.broadcast %get3A_26 : vector<1x3xf32> to vector<2048x3xf32>
    %add3A_28 = arith.addf %dot_general3A_23, %add3A_27 : vector<2048x3xf32>
    %swap3A = arith.constant 0 : index
    %swap3A_29 = arith.constant 0 : index
    %swap3A_30 = vector.load %arg5[%swap3A, %swap3A_29] : memref<2048x3xf32, #tpu.memory_space<vmem>>, vector<2048x3xf32>
    tpu.vector_store %arg5[%swap3A, %swap3A_29], %add3A_28 {strides = array<i32>} : memref<2048x3xf32, #tpu.memory_space<vmem>>, vector<2048x3xf32>,
    return
  }
  func.func @transform_0(%arg0: i32) -> (i32, i32, i32) {
    %c0_i32 = arith.constant 0 : i32
    %c0_i32_0 = arith.constant 0 : i32
    %c0_i32_1 = arith.constant 0 : i32
    return %c0_i32, %arg0, %c0_i32_0 : i32, i32, i32
  }
  func.func @transform_1(%arg0: i32) -> (i32, i32) {
    %c0_i32 = arith.constant 0 : i32
    %c0_i32_0 = arith.constant 0 : i32
    %c0_i32_1 = arith.constant 0 : i32
    return %c0_i32, %c0_i32_0 : i32, i32
  }
  func.func @transform_2(%arg0: i32) -> (i32, i32) {
    %c0_i32 = arith.constant 0 : i32
    %c0_i32_0 = arith.constant 0 : i32
    %c0_i32_1 = arith.constant 0 : i32
    return %c0_i32, %c0_i32_0 : i32, i32
  }
  func.func @transform_3(%arg0: i32) -> (i32, i32) {
    %c0_i32 = arith.constant 0 : i32
    %c0_i32_0 = arith.constant 0 : i32
    %c0_i32_1 = arith.constant 0 : i32
    return %c0_i32, %c0_i32_0 : i32, i32
  }
  func.func @transform_4(%arg0: i32) -> (i32, i32) {
    %c0_i32 = arith.constant 0 : i32
    %c0_i32_0 = arith.constant 0 : i32
    return %arg0, %c0_i32 : i32, i32
  }
}

</mosaic_0001>

<sc_bundles>
// kernel: kernel.5.cloned.1.call-start
scs
__scs_entry_jumppad:
0x0: {  	(pc) =	sbr.rel $0x88, $3  }
0x1: {  	(tag) =	ssettag $0x0;
	lr =	simm.s32 $0x1  }
0x2: {  	[smem:$0x3F9A] =	sst lr;
	_ =	strace $0xD0000000  }
0x3: {  	_ = 	snop  }
0x4: {  	_ = 	snop  }
0x5: {  	_ = 	snop  }
0x6: {  	_ = 	snop  }
0x7: {  	_ = 	snop  }
__scs_overlays_trampoline_lowered:
0x8: {  	[smem:$0x3FA9] =	sst s0  }
0x9: {  	[smem:$0x3FAA] =	sst s1  }
0xa: {  	[smem:$0x3FAB] =	sst s2  }
0xb: {  	[smem:$0x3FAC] =	sst s3  }
0xc: {  	[smem:$0x3FAD] =	sst s4  }
0xd: {  	[smem:$0x3FAE] =	sst s5  }
0xe: {  	[smem:$0x3FAF] =	sst s6  }
0xf: {  	[smem:$0x3FB0] =	sst s7  }
0x10: {  	[smem:$0x3FB1] =	sst s8  }
0x11: {  	[smem:$0x3FB2] =	sst s9;
	s0 =	simm.s32 @!p0 $0x0  }
0x12: {  	s1 =	sld [smem:$0x3F98];
	s0 =	simm.s32 @p0 $0x1  }
0x13: {  	[smem:$0x3FB3] =	sst s0;
	s0 =	simm.s32 @!p1 $0x0  }
0x14: {  	s2 =	sld [smem:$0x3F97];
	s0 =	simm.s32 @p1 $0x1  }
0x15: {  	[smem:$0x3FB4] =	sst s0;
	s0 =	simm.s32 @!p2 $0x0  }
0x16: {  	s3 =	sld [smem:$0x3FDB];
	s0 =	simm.s32 @p2 $0x1  }
0x17: {  	s4 =	simm.s32 $0x1BF5;
	[smem:$0x3FB6] =	sst s0  }
0x18: {  	s0 =	sld [smem:$0x3F99];
	_ =	swait.ge [sflag:s4], $0x0  }
0x19: {  	s7 =	sld [smem:$0x3F9A]  }
0x1a: {  	s8 =	sadd.s32 $0xFFFFE003, lr  }
0x1b: {  	s9 =	sadd.s32 $0xFFFFFEF7, lr;
	s5 =	simm.s32 $0xFFFFFFFF;
	p2 =	slt.u32 s8, $0xFFFFF086  }
0x1c: {  	p1 =	slt.u32 s9, $0xF7A;
	s5 =	simm.s32 @!p2 $0x0  }
0x1d: {  	s5 =	simm.s32 @p1 $0x1;
	p0 =	seq.s32 s7, s2  }
0x1e: {  	s7 =	smul.u32 @!p0 $0xF7A, s2;
	p2 =	seq.s32 @!p0 s5, $0x0  }
0x1f: {  	s9 =	smul.u32 $0xF7A, s1;
	s8 =	simm.s32 @!p0 $0x1BF5;
	p2 =	por !p2, p0  }
0x20: {  	[sflag:s8] =	ssyncset.s32 @!p0 $0xFFFFF086;
	s6 =	sadd.s32 @!p0 s3, s7;
	s7 =	simm.s32 @!p0 $0x108  }
0x21: {  	s3 =	sadd.s32 s3, s9;
	s6 =	sadd.s32 @!p0 $0x88, s6;
	s7 =	simm.s32 @p2 $0x1082  }
0x22: {  	[simem:s7], [sflag:s8] =	dma.local @!p0 [hbm:s6], $0xF7A  }
0x23: {  	s9 =	sor.u32 $0xD0000000, s2;
	s6 =	simm.s32 $0x108;
	_ =	swait.ge @!p0 [sflag:s8], $0x0  }
0x24: {  	s3 =	sadd.s32 $0x88, s3;
	s6 =	simm.s32 @!p1 $0x1082;
	[sflag:s4] =	ssyncset.s32 $0xFFFFF086  }
0x25: {  	[simem:s6], [sflag:s4] =	dma.local [hbm:s3], $0xF7A  }
0x26: {  	[smem:$0x3F9A] =	sst s1;
	(tag) =	ssettag s2;
	_ =	strace s9  }
0x27: {  	s1 =	sld [smem:$0x3FAA]  }
0x28: {  	s2 =	sld [smem:$0x3FAB]  }
0x29: {  	s4 =	sld [smem:$0x3FAD]  }
0x2a: {  	p0 =	seq.s32 s5, $0x0;
	s5 =	sld [smem:$0x3FAE]  }
0x2b: {  	s6 =	sld [smem:$0x3FAF]  }
0x2c: {  	s7 =	sld [smem:$0x3FB0]  }
0x2d: {  	s3 =	simm.s32 $0x108;
	s8 =	sld [smem:$0x3FB1]  }
0x2e: {  	s3 =	simm.s32 @!p0 $0x1082;
	s9 =	sld [smem:$0x3FB2]  }
0x2f: {  	lr =	sadd.s32 s0, s3;
	s0 =	sld [smem:$0x3FA9]  }
0x30: {  	s3 =	sld [smem:$0x3FAC]  }
0x31: {  	[smem:$0x3FB5] =	sst s10  }
0x32: {  	s10 =	sld [smem:$0x3FB3];
	_ =	sdelay $0x3  }
0x33: {  	p0 =	seq.s32 s10, $0x1;
	s10 =	sld [smem:$0x3FB5];
	_ =	sdelay $0x3  }
0x34: {  	[smem:$0x3FB5] =	sst s10  }
0x35: {  	s10 =	sld [smem:$0x3FB4];
	_ =	sdelay $0x3  }
0x36: {  	p1 =	seq.s32 s10, $0x1;
	s10 =	sld [smem:$0x3FB5];
	_ =	sdelay $0x3  }
0x37: {  	[smem:$0x3FB5] =	sst s10  }
0x38: {  	s10 =	sld [smem:$0x3FB6]  }
0x39: {  	_ = 	snop;
	(pc) =	sbr.ind lr, $3  }
0x3a: {  	_ = 	snop  }
0x3b: {  	_ = 	snop  }
0x3c: {  	p2 =	seq.s32 s10, $0x1;
	s10 =	sld [smem:$0x3FB5]  }
0x3d: {  	_ =	shalt  }
0x3e: {  	_ =	shalt  }
0x3f: {  	_ =	shalt  }
0x40: {  	_ =	shalt  }
0x41: {  	_ =	shalt  }
0x42: {  	_ =	shalt  }
0x43: {  	_ =	shalt  }
0x44: {  	_ =	shalt  }
0x45: {  	_ =	shalt  }
0x46: {  	_ =	shalt  }
0x47: {  	_ =	shalt  }
0x48: {  	_ =	shalt  }
0x49: {  	_ =	shalt  }
0x4a: {  	_ =	shalt  }
0x4b: {  	_ =	shalt  }
0x4c: {  	_ =	shalt  }
0x4d: {  	_ =	shalt  }
0x4e: {  	_ =	shalt  }
0x4f: {  	_ =	shalt  }
0x50: {  	_ =	shalt  }
0x51: {  	_ =	shalt  }
0x52: {  	_ =	shalt  }
0x53: {  	_ =	shalt  }
0x54: {  	_ =	shalt  }
0x55: {  	_ =	shalt  }
0x56: {  	_ =	shalt  }
0x57: {  	_ =	shalt  }
0x58: {  	_ =	shalt  }
0x59: {  	_ =	shalt  }
0x5a: {  	_ =	shalt  }
0x5b: {  	_ =	shalt  }
0x5c: {  	_ =	shalt  }
0x5d: {  	_ =	shalt  }
0x5e: {  	_ =	shalt  }
0x5f: {  	_ =	shalt  }
0x60: {  	_ =	shalt  }
0x61: {  	_ =	shalt  }
0x62: {  	_ =	shalt  }
0x63: {  	_ =	shalt  }
0x64: {  	_ =	shalt  }
0x65: {  	_ =	shalt  }
0x66: {  	_ =	shalt  }
0x67: {  	_ =	shalt  }
0x68: {  	_ =	shalt  }
0x69: {  	_ =	shalt  }
0x6a: {  	_ =	shalt  }
0x6b: {  	_ =	shalt  }
0x6c: {  	_ =	shalt  }
0x6d: {  	_ =	shalt  }
0x6e: {  	_ =	shalt  }
0x6f: {  	_ =	shalt  }
0x70: {  	_ =	shalt  }
0x71: {  	_ =	shalt  }
0x72: {  	_ =	shalt  }
0x73: {  	_ =	shalt  }
0x74: {  	_ =	shalt  }
0x75: {  	_ =	shalt  }
0x76: {  	_ =	shalt  }
0x77: {  	_ =	shalt  }
0x78: {  	_ =	shalt  }
0x79: {  	_ =	shalt  }
0x7a: {  	_ =	shalt  }
0x7b: {  	_ =	shalt  }
0x7c: {  	_ =	shalt  }
0x7d: {  	_ =	shalt  }
0x7e: {  	_ =	shalt  }
0x7f: {  	_ =	shalt  }
0x80: {  	_ =	shalt  }
0x81: {  	_ =	shalt  }
0x82: {  	_ =	shalt  }
0x83: {  	_ =	shalt  }
0x84: {  	_ =	shalt  }
0x85: {  	_ =	shalt  }
0x86: {  	_ =	shalt  }
0x87: {  	_ =	shalt  }
.Lfunc_end0:
.L_simem_size_0:
called_computation_lowered:
.L_overlay_start_0:
0x88: {  	s2 =	sld [smem:$0x3FD9]  }
0x89: {  	s3 =	sld [smem:$0x3FFE];
	_ =	sdelay $0x1  }
0x8a: {  	s1 =	srdreg.scid  }
0x8b: {  	s0 =	sand.u32 $0x1, s1  }
0x8c: {  	s17 =	sshll.u32 s0, $0xA;
	s2 =	sadd.s32 s3, s2  }
0x8d: {  	s2 =	sadd.s32 s2, s17  }
0x8e: {  	[smem:$0x3FC1] =	sst s2  }
0x8f: {  	_ = 	snop  }
0x90: {  	s2 =	sld [smem:$0x3FC9]  }
0x91: {  	s18 =	sld [smem:$0x3FC8]  }
0x92: {  	s4 =	sld [smem:$0x3FC7]  }
0x93: {  	s5 =	sld [smem:$0x3FD0];
	(tm) =	ssettm $0x1  }
0x94: {  	s6 =	sld [smem:$0x3FFB];
	_ =	sdelay $0x3  }
0x95: {  	_ =	strace s6  }
0x96: {  	s6 =	sld [smem:$0x3FFC];
	_ =	sdelay $0x3  }
0x97: {  	_ =	strace s6  }
0x98: {  	s6 =	sld [smem:$0x3FFD];
	_ =	sdelay $0x3  }
0x99: {  	_ =	strace s6  }
0x9a: {  	_ =	strace $0x8FFFFFFF  }
0x9b: {  	s19 =	sld [smem:$0x3FDB];
	_ =	sdelay $0x1  }
0x9c: {  	s7 =	simm.s32 $_scs_section_size  }
0x9d: {  	s8 =	simm.s32 $_size__tile_overlayer_lowered;
	s9 =	simm.s32 $_tile_overlayer_lowered  }
0x9e: {  	s22 =	simm.s32 $0x1BFF;
	s21 =	sshll.u32 s9, $0x1;
	s6 =	sadd.s32 s7, s19  }
0x9f: {  	s10 =	simm.s32 $0x0;
	s20 =	sshll.u32 s8, $0x1;
	s8 =	sadd.s32 s21, s6  }
0xa0: {  	[timem:s10], [sflag:s22] =	dma.local [hbm:s8], s20  }
0xa1: {  	_ =	swait.ge [sflag:s22], s20  }
0xa2: {  	s7 =	ssub.s32 $0x0, s20;
	[sflag:s22] =	ssyncset.done $0x0  }
0xa3: {  	[sflag:s22] =	ssyncadd.s32 s7;
	_ =	sdelay $0x1  }
0xa4: {  	s23 =	simm.s32 $0x1B8B  }
0xa5: {  	_ =	swait.ge [sflag:s23], $0x1  }
0xa6: {  	[sflag:s23] =	ssyncset.done $0x0  }
0xa7: {  	s25 =	simm.s32 $0x1B8E;
	s24 =	sld [smem:$0x3FFE];
	[sflag:s23] =	ssyncadd.s32 $0xFFFFFFFF  }
0xa8: {  	s26 =	simm.s32 $execute0_lowered;
	[smem:$0x3FD2] =	sst s25  }
0xa9: {  	s8 =	sshll.u32 s26, $0x1;
	_ =	strace $0x80000046;
	[dreg:$0x1] =	wrdreg $0xFFFFFFFF  }
0xaa: {  	s28 =	simm.s32 $_size_execute0_lowered;
	s6 =	sadd.s32 s6, s8;
	[dreg:$0x0] =	wrdreg $0x0  }
0xab: {  	s8 =	sshll.u32 s28, $0x1;
	[dreg:$0x2] =	wrdreg s6  }
0xac: {  	[dreg:$0x3] =	wrdreg s8  }
0xad: {  	[dreg:$0x4] =	wrdreg $0xC0  }
0xae: {  	_ =	task [dreg:s10], $0x5FFFF  }
0xaf: {  	[dreg:$0x1] =	wrdreg $0xFFFFFFFF  }
0xb0: {  	[dreg:$0x0] =	wrdreg $0x60  }
0xb1: {  	[dreg:$0x2] =	wrdreg s2  }
0xb2: {  	[dreg:$0x3] =	wrdreg s18  }
0xb3: {  	[dreg:$0x4] =	wrdreg s4  }
0xb4: {  	[dreg:$0x5] =	wrdreg s5  }
0xb5: {  	[dreg:$0x6] =	wrdreg s24  }
0xb6: {  	[dreg:$0x7] =	wrdreg $0xC3000  }
0xb7: {  	[dreg:$0x8] =	wrdreg $0x9  }
0xb8: {  	_ =	task.clear_ibuf [dreg:s10], $0x9FFFF;
	_ =	strace $0x90000046  }
0xb9: {  	s29 =	simm.s32 $0x9;
	_ =	strace $0x80000048  }
0xba: {  	_ =	swait.ge [sflag:s29], $0x1  }
0xbb: {  	[sflag:s29] =	ssyncadd.s32 $0xFFFFFFFF  }
0xbc: {  	_ =	strace $0x90000048  }
0xbd: {  	_ =	sfence  }
0xbe: {  	s30 =	sld [smem:$0x0];
	_ =	sdelay $0x2  }
0xbf: {  	s31 =	sshll.u32 s1, $0xD;
	s1 =	sshrl.u32 s1, $0x2  }
0xc0: {  	s3 =	sand.u32 $0x4000, s31;
	s1 =	sadd.s32 s1, s30  }
0xc1: {  	s0 =	sor.u32 s3, s0;
	s1 =	sshll.u32 s1, $0x11  }
0xc2: {  	s0 =	sor.u32 s1, s0  }
0xc3: {  	s0 =	sadd.s32 $0x8F2B, s0  }
0xc4: {  	[sflag:s0] =	ssyncadd.remote.s32 $0x1  }
0xc5: {  	_ =	sfence.sel $0xFFFF  }
0xc6: {  	[dreg:$0x0] =	wrdreg $0xFFFFFFFF;
	(pc) =	sbr.abs _section_cstart, $3  }
0xc7: {  	[dreg:$0x1] =	wrdreg $0xFFFFFFFF  }
0xc8: {  	_ =	task.clear_ibuf [dreg:s10], $0x2FFFF;
	_ =	strace $0x9FFFFFFF  }
0xc9: {  	(tm) =	ssettm $0x7FFFFFFF  }
tec
execute0_lowered:
.L_overlay_start_1:
0x0: {  	(tag) =	ssettag $0x1  }
0x1: {  	s0 =	rddreg [dreg:$0x4]  }
0x2: {  	s5 =	rddreg [dreg:$0x5]  }
0x3: {  	s1 =	simm.s32 $0x0;
	s28 =	srdreg.scid;
	s8 =	stileid.u32  }
0x4: {  	s14 =	simm.s32 $0x5;
	s18 =	simm.s32 $0x8200;
	s19 =	simm.s32 $0x1  }
0x5: {  	s20 =	simm.s32 $0x2;
	s21 =	simm.s32 $0x3;
	s22 =	simm.s32 $0x20  }
0x6: {  	s11 =	simm.s32 $0x82E0;
	s12 =	simm.s32 $0xBB00;
	[smem:$0x7FF] =	sst s1  }
0x7: {  	s1 =	sand.u32 $0x1, s28;
	s2 =	sshll.u32 s8, $0xD;
	s3 =	sshll.u32 s8, $0x10  }
0x8: {  	s30 =	sshll.u32 s8, $0x6;
	_ =	strace $0x80000047;
	s4 =	sshll.u32 s1, $0x14  }
0x9: {  	s2 =	sadd.s32 s2, s0;
	s6 =	ssub.s32 $0x2, s1;
	s1 =	sshll.u32 s1, $0x4  }
0xa: {  	s4 =	sor.u32 s3, s4;
	s7 =	sshrl.u32 s6, $0x1;
	s1 =	sor.u32 s8, s1  }
0xb: {  	s3 =	sadd.s32 s3, s5;
	s2 =	sadd.s32 $0xA00, s2;
	s8 =	simm.s32 $0xB300  }
0xc: {  	s4 =	sshrl.u32 s4, $0x3;
	[dreg:$0x7] =	wrdreg s2;
	s2 =	sor.u32 $0x1C05, s30  }
0xd: {  	s29 =	ssub.s32 s6, s7;
	s3 =	sshrl.u32 s3, $0x3;
	[dreg:$0x8] =	wrdreg s2  }
0xe: {  	s0 =	sadd.s32 s4, s0;
	s31 =	smax.u32 s29, $0x1;
	[dreg:$0xb] =	wrdreg s3  }
0xf: {  	s10 =	smul.u32 $0x3400, s1;
	s0 =	sadd.s32 $0x20A00, s0;
	[dreg:$0xa] =	wrdreg s31  }
0x10: {  	s7 =	simm.s32 $0x82C0;
	s1 =	simm.s32 $0x0;
	[dreg:$0x9] =	wrdreg s0  }
.LBB2_1:
0x11: {  	[dreg:$0xc] =	wrdreg s1  }
0x12: {  	s0 =	rddreg [dreg:$0x3]  }
0x13: {  	s29 =	simm.s32 $0x0;
	s30 =	rddreg [dreg:$0x7]  }
0x14: {  	[tilespmem:s29], [sflag:$0x4] =	stream.linear.gather [hbm4b:s0+s29], $0x8000, $0x38;
	[tilespmem:$0x1C300] =	vst v63  }
0x15: {  	[spmem:s3], [sflag:s2] =	dma.local [hbm:s30], $0x2000  }
0x16: {  	_ =	swait.ge [sflag:s14], $0x2000  }
0x17: {  	[sflag:s14] =	ssyncset.done $0x0  }
0x18: {  	s31 =	simm.s32 $0x4;
	[sflag:s14] =	ssyncadd.s32 $0xFFFFE000  }
0x19: {  	_ =	swait.ge [sflag:s31], $0x8000  }
0x1a: {  	[sflag:s31] =	ssyncset.done $0x0  }
0x1b: {  	[sflag:s31] =	ssyncadd.s32 $0xFFFF8000  }
0x1c: {  	s9 =	simm.s32 $0x0;
	[bflag:$0x0] =	sbarrier.arrive $0xFFFF  }
.LBB2_2:
0x1d: {  	s0 =	sshll.u32 s9, $0x8  }
0x1e: {  	s0 =	sadd.s32 s10, s0  }
0x1f: {  	s1 =	rddreg [dreg:$0x1];
	s2 =	simm.s32 $0x0;
	s0 =	sshrl.u32 s0, $0x3  }
0x20: {  	s3 =	simm.s32 $0x8000;
	s28 =	rddreg [dreg:$0x2];
	s1 =	sadd.s32 s1, s0  }
0x21: {  	[tilespmem:s3], [sflag:$0x1] =	stream.linear.gather [hbm4b:s1+s2], $0x100, $0x38;
	[tilespmem:$0x1C300] =	vst v63  }
0x22: {  	s29 =	simm.s32 $0x8100;
	s30 =	rddreg [dreg:$0x0];
	s1 =	sadd.s32 s28, s0  }
0x23: {  	[tilespmem:s29], [sflag:$0x2] =	stream.linear.gather [hbm4b:s1+s2], $0x100, $0x38;
	[tilespmem:$0x1C300] =	vst v63  }
0x24: {  	s0 =	sadd.s32 s30, s0  }
0x25: {  	[tilespmem:s18], [sflag:$0x3] =	stream.linear.gather [hbm4b:s0+s2], $0x100, $0x38;
	[tilespmem:$0x1C300] =	vst v63  }
0x26: {  	_ =	swait.ge [sflag:s19], $0x100  }
0x27: {  	[sflag:s19] =	ssyncset.done $0x0  }
0x28: {  	[sflag:s19] =	ssyncadd.s32 $0xFFFFFF00  }
0x29: {  	_ =	swait.ge [sflag:s20], $0x100  }
0x2a: {  	[sflag:s20] =	ssyncset.done $0x0  }
0x2b: {  	s31 =	simm.s32 $0x0;
	[sflag:s20] =	ssyncadd.s32 $0xFFFFFF00  }
0x2c: {  	v0 =	vld [tilespmem:s31+$0x8000];
	_ =	sdelay $0x4  }
0x2d: {  	v1 =	vshll.u32 v0, $0x6  }
0x2e: {  	(v2sf) =	vpush v1, $0x0;
	_ =	sdelay $0xd  }
0x2f: {  	v48 =	vld [tilespmem:s31+$0x8100]  }
0x30: {  	s1 =	spop (v2sf)  }
0x31: {  	v2 =	vld [tilespmem:s1+$0x0];
	_ =	sdelay $0x2  }
0x32: {  	v3 =	vbroadcast v48, $0x0;
	_ =	sdelay $0x1  }
0x33: {  	v2 =	vmul.f32 v3, v2  }
0x34: {  	s13 =	simm.s32 $0x8500  }
0x35: {  	[tilespmem:s13+$0xFFFFFE00] =	vst v2  }
0x36: {  	v2 =	vld [tilespmem:s1+$0x10];
	_ =	sdelay $0x4  }
0x37: {  	v2 =	vmul.f32 v2, v3;
	_ =	sdelay $0x1  }
0x38: {  	[tilespmem:s13+$0xFFFFFE10] =	vst v2  }
0x39: {  	(v2sf) =	vpush v1, $0x1;
	v2 =	vld [tilespmem:s1+$0x20];
	_ =	sdelay $0x4  }
0x3a: {  	v2 =	vmul.f32 v2, v3;
	_ =	sdelay $0x1  }
0x3b: {  	[tilespmem:s13+$0xFFFFFE20] =	vst v2  }
0x3c: {  	v2 =	vld [tilespmem:s1+$0x30];
	_ =	sdelay $0x4  }
0x3d: {  	v2 =	vmul.f32 v2, v3;
	_ =	sdelay $0x1  }
0x3e: {  	s2 =	spop (v2sf);
	[tilespmem:s13+$0xFFFFFE30] =	vst v2  }
0x3f: {  	v2 =	vld [tilespmem:s2+$0x0];
	_ =	sdelay $0x2  }
0x40: {  	v49 =	vbroadcast v48, $0x1;
	_ =	sdelay $0x1  }
0x41: {  	v2 =	vmul.f32 v2, v49;
	_ =	sdelay $0x1  }
0x42: {  	[tilespmem:s13+$0xFFFFFE40] =	vst v2  }
0x43: {  	v2 =	vld [tilespmem:s2+$0x10];
	_ =	sdelay $0x4  }
0x44: {  	v2 =	vmul.f32 v2, v49;
	_ =	sdelay $0x1  }
0x45: {  	[tilespmem:s13+$0xFFFFFE50] =	vst v2  }
0x46: {  	(v2sf) =	vpush v1, $0x2;
	v2 =	vld [tilespmem:s2+$0x20];
	_ =	sdelay $0x4  }
0x47: {  	v2 =	vmul.f32 v2, v49;
	_ =	sdelay $0x1  }
0x48: {  	[tilespmem:s13+$0xFFFFFE60] =	vst v2  }
0x49: {  	v2 =	vld [tilespmem:s2+$0x30];
	_ =	sdelay $0x4  }
0x4a: {  	v2 =	vmul.f32 v2, v49;
	_ =	sdelay $0x1  }
0x4b: {  	s3 =	spop (v2sf);
	[tilespmem:s13+$0xFFFFFE70] =	vst v2  }
0x4c: {  	v2 =	vld [tilespmem:s3+$0x0];
	_ =	sdelay $0x2  }
0x4d: {  	v50 =	vbroadcast v48, $0x2;
	_ =	sdelay $0x1  }
0x4e: {  	v2 =	vmul.f32 v2, v50;
	_ =	sdelay $0x1  }
0x4f: {  	[tilespmem:s13+$0xFFFFFE80] =	vst v2  }
0x50: {  	v2 =	vld [tilespmem:s3+$0x10];
	_ =	sdelay $0x4  }
0x51: {  	v2 =	vmul.f32 v2, v50;
	_ =	sdelay $0x1  }
0x52: {  	[tilespmem:s13+$0xFFFFFE90] =	vst v2  }
0x53: {  	(v2sf) =	vpush v1, $0x3;
	v2 =	vld [tilespmem:s3+$0x20];
	_ =	sdelay $0x4  }
0x54: {  	v2 =	vmul.f32 v2, v50;
	_ =	sdelay $0x1  }
0x55: {  	[tilespmem:s13+$0xFFFFFEA0] =	vst v2  }
0x56: {  	v2 =	vld [tilespmem:s3+$0x30];
	_ =	sdelay $0x4  }
0x57: {  	v2 =	vmul.f32 v2, v50;
	_ =	sdelay $0x1  }
0x58: {  	s4 =	spop (v2sf);
	[tilespmem:s13+$0xFFFFFEB0] =	vst v2  }
0x59: {  	v2 =	vld [tilespmem:s4+$0x0];
	_ =	sdelay $0x2  }
0x5a: {  	v51 =	vbroadcast v48, $0x3;
	_ =	sdelay $0x1  }
0x5b: {  	v2 =	vmul.f32 v2, v51;
	_ =	sdelay $0x1  }
0x5c: {  	[tilespmem:s13+$0xFFFFFEC0] =	vst v2  }
0x5d: {  	v2 =	vld [tilespmem:s4+$0x10];
	_ =	sdelay $0x4  }
0x5e: {  	v2 =	vmul.f32 v2, v51;
	_ =	sdelay $0x1  }
0x5f: {  	[tilespmem:s13+$0xFFFFFED0] =	vst v2  }
0x60: {  	(v2sf) =	vpush v1, $0x4;
	v2 =	vld [tilespmem:s4+$0x20];
	_ =	sdelay $0x4  }
0x61: {  	v2 =	vmul.f32 v2, v51;
	_ =	sdelay $0x1  }
0x62: {  	[tilespmem:s13+$0xFFFFFEE0] =	vst v2  }
0x63: {  	v2 =	vld [tilespmem:s4+$0x30];
	_ =	sdelay $0x4  }
0x64: {  	v2 =	vmul.f32 v2, v51;
	_ =	sdelay $0x1  }
0x65: {  	s6 =	spop (v2sf);
	[tilespmem:s13+$0xFFFFFEF0] =	vst v2  }
0x66: {  	v2 =	vld [tilespmem:s6+$0x0];
	_ =	sdelay $0x2  }
0x67: {  	v52 =	vbroadcast v48, $0x4;
	_ =	sdelay $0x1  }
0x68: {  	v2 =	vmul.f32 v2, v52;
	_ =	sdelay $0x1  }
0x69: {  	[tilespmem:s13+$0xFFFFFF00] =	vst v2  }
0x6a: {  	v2 =	vld [tilespmem:s6+$0x10];
	_ =	sdelay $0x4  }
0x6b: {  	v2 =	vmul.f32 v2, v52;
	_ =	sdelay $0x1  }
0x6c: {  	[tilespmem:s13+$0xFFFFFF10] =	vst v2  }
0x6d: {  	(v2sf) =	vpush v1, $0x5;
	v2 =	vld [tilespmem:s6+$0x20];
	_ =	sdelay $0x4  }
0x6e: {  	v2 =	vmul.f32 v2, v52;
	_ =	sdelay $0x1  }
0x6f: {  	[tilespmem:s13+$0xFFFFFF20] =	vst v2  }
0x70: {  	v2 =	vld [tilespmem:s6+$0x30];
	_ =	sdelay $0x4  }
0x71: {  	v2 =	vmul.f32 v2, v52;
	_ =	sdelay $0x1  }
0x72: {  	s15 =	spop (v2sf);
	[tilespmem:s13+$0xFFFFFF30] =	vst v2  }
0x73: {  	v2 =	vld [tilespmem:s15+$0x0];
	_ =	sdelay $0x2  }
0x74: {  	v53 =	vbroadcast v48, $0x5;
	_ =	sdelay $0x1  }
0x75: {  	v2 =	vmul.f32 v2, v53;
	_ =	sdelay $0x1  }
0x76: {  	[tilespmem:s13+$0xFFFFFF40] =	vst v2  }
0x77: {  	v2 =	vld [tilespmem:s15+$0x10];
	_ =	sdelay $0x4  }
0x78: {  	v2 =	vmul.f32 v2, v53;
	_ =	sdelay $0x1  }
0x79: {  	[tilespmem:s13+$0xFFFFFF50] =	vst v2  }
0x7a: {  	(v2sf) =	vpush v1, $0x6;
	v2 =	vld [tilespmem:s15+$0x20];
	_ =	sdelay $0x4  }
0x7b: {  	v2 =	vmul.f32 v2, v53;
	_ =	sdelay $0x1  }
0x7c: {  	[tilespmem:s13+$0xFFFFFF60] =	vst v2  }
0x7d: {  	v2 =	vld [tilespmem:s15+$0x30];
	_ =	sdelay $0x4  }
0x7e: {  	v2 =	vmul.f32 v2, v53;
	_ =	sdelay $0x1  }
0x7f: {  	s16 =	spop (v2sf);
	[tilespmem:s13+$0xFFFFFF70] =	vst v2  }
0x80: {  	v2 =	vld [tilespmem:s16+$0x0];
	_ =	sdelay $0x2  }
0x81: {  	v54 =	vbroadcast v48, $0x6;
	_ =	sdelay $0x1  }
0x82: {  	v2 =	vmul.f32 v2, v54;
	_ =	sdelay $0x1  }
0x83: {  	[tilespmem:s13+$0xFFFFFF80] =	vst v2  }
0x84: {  	v2 =	vld [tilespmem:s16+$0x10];
	_ =	sdelay $0x4  }
0x85: {  	v2 =	vmul.f32 v2, v54;
	_ =	sdelay $0x1  }
0x86: {  	[tilespmem:s13+$0xFFFFFF90] =	vst v2  }
0x87: {  	(v2sf) =	vpush v1, $0x7;
	v2 =	vld [tilespmem:s16+$0x20];
	_ =	sdelay $0x4  }
0x88: {  	v2 =	vmul.f32 v2, v54;
	_ =	sdelay $0x1  }
0x89: {  	[tilespmem:s13+$0xFFFFFFA0] =	vst v2  }
0x8a: {  	v2 =	vld [tilespmem:s16+$0x30];
	_ =	sdelay $0x4  }
0x8b: {  	v2 =	vmul.f32 v2, v54;
	_ =	sdelay $0x1  }
0x8c: {  	s17 =	spop (v2sf);
	[tilespmem:s13+$0xFFFFFFB0] =	vst v2  }
0x8d: {  	v2 =	vld [tilespmem:s17+$0x0];
	_ =	sdelay $0x2  }
0x8e: {  	v55 =	vbroadcast v48, $0x7;
	_ =	sdelay $0x1  }
0x8f: {  	v2 =	vmul.f32 v2, v55;
	_ =	sdelay $0x1  }
0x90: {  	[tilespmem:s13+$0xFFFFFFC0] =	vst v2  }
0x91: {  	v2 =	vld [tilespmem:s17+$0x10];
	_ =	sdelay $0x4  }
0x92: {  	v2 =	vmul.f32 v2, v55;
	_ =	sdelay $0x1  }
0x93: {  	[tilespmem:s13+$0xFFFFFFD0] =	vst v2  }
0x94: {  	(v2sf) =	vpush v1, $0x8;
	v2 =	vld [tilespmem:s17+$0x20];
	_ =	sdelay $0x4  }
0x95: {  	v2 =	vmul.f32 v2, v55;
	_ =	sdelay $0x1  }
0x96: {  	[tilespmem:s13+$0xFFFFFFE0] =	vst v2  }
0x97: {  	v2 =	vld [tilespmem:s17+$0x30];
	_ =	sdelay $0x4  }
0x98: {  	v2 =	vmul.f32 v2, v55;
	_ =	sdelay $0x1  }
0x99: {  	s23 =	spop (v2sf);
	[tilespmem:s13+$0xFFFFFFF0] =	vst v2  }
0x9a: {  	v2 =	vld [tilespmem:s23+$0x0];
	_ =	sdelay $0x2  }
0x9b: {  	v56 =	vbroadcast v48, $0x8;
	_ =	sdelay $0x1  }
0x9c: {  	v2 =	vmul.f32 v2, v56;
	_ =	sdelay $0x1  }
0x9d: {  	[tilespmem:s13+$0x0] =	vst v2  }
0x9e: {  	v2 =	vld [tilespmem:s23+$0x10];
	_ =	sdelay $0x4  }
0x9f: {  	v2 =	vmul.f32 v2, v56;
	_ =	sdelay $0x1  }
0xa0: {  	[tilespmem:s13+$0x10] =	vst v2  }
0xa1: {  	(v2sf) =	vpush v1, $0x9;
	v2 =	vld [tilespmem:s23+$0x20];
	_ =	sdelay $0x4  }
0xa2: {  	v2 =	vmul.f32 v2, v56;
	_ =	sdelay $0x1  }
0xa3: {  	[tilespmem:s13+$0x20] =	vst v2  }
0xa4: {  	v2 =	vld [tilespmem:s23+$0x30];
	_ =	sdelay $0x4  }
0xa5: {  	v2 =	vmul.f32 v2, v56;
	_ =	sdelay $0x1  }
0xa6: {  	s24 =	spop (v2sf);
	[tilespmem:s13+$0x30] =	vst v2  }
0xa7: {  	v2 =	vld [tilespmem:s24+$0x0];
	_ =	sdelay $0x2  }
0xa8: {  	v57 =	vbroadcast v48, $0x9;
	_ =	sdelay $0x1  }
0xa9: {  	v2 =	vmul.f32 v2, v57;
	_ =	sdelay $0x1  }
0xaa: {  	[tilespmem:s13+$0x40] =	vst v2  }
0xab: {  	v2 =	vld [tilespmem:s24+$0x10];
	_ =	sdelay $0x4  }
0xac: {  	v2 =	vmul.f32 v2, v57;
	_ =	sdelay $0x1  }
0xad: {  	[tilespmem:s13+$0x50] =	vst v2  }
0xae: {  	(v2sf) =	vpush v1, $0xA;
	v2 =	vld [tilespmem:s24+$0x20];
	_ =	sdelay $0x4  }
0xaf: {  	v2 =	vmul.f32 v2, v57;
	_ =	sdelay $0x1  }
0xb0: {  	[tilespmem:s13+$0x60] =	vst v2  }
0xb1: {  	v2 =	vld [tilespmem:s24+$0x30];
	_ =	sdelay $0x4  }
0xb2: {  	v2 =	vmul.f32 v2, v57;
	_ =	sdelay $0x1  }
0xb3: {  	s25 =	spop (v2sf);
	[tilespmem:s13+$0x70] =	vst v2  }
0xb4: {  	v2 =	vld [tilespmem:s25+$0x0];
	_ =	sdelay $0x2  }
0xb5: {  	v58 =	vbroadcast v48, $0xA;
	_ =	sdelay $0x1  }
0xb6: {  	v2 =	vmul.f32 v2, v58;
	_ =	sdelay $0x1  }
0xb7: {  	[tilespmem:s13+$0x80] =	vst v2  }
0xb8: {  	v2 =	vld [tilespmem:s25+$0x10];
	_ =	sdelay $0x4  }
0xb9: {  	v2 =	vmul.f32 v2, v58;
	_ =	sdelay $0x1  }
0xba: {  	[tilespmem:s13+$0x90] =	vst v2  }
0xbb: {  	(v2sf) =	vpush v1, $0xB;
	v2 =	vld [tilespmem:s25+$0x20];
	_ =	sdelay $0x4  }
0xbc: {  	v2 =	vmul.f32 v2, v58;
	_ =	sdelay $0x1  }
0xbd: {  	[tilespmem:s13+$0xA0] =	vst v2  }
0xbe: {  	v2 =	vld [tilespmem:s25+$0x30];
	_ =	sdelay $0x4  }
0xbf: {  	v2 =	vmul.f32 v2, v58;
	_ =	sdelay $0x1  }
0xc0: {  	s26 =	spop (v2sf);
	[tilespmem:s13+$0xB0] =	vst v2  }
0xc1: {  	v2 =	vld [tilespmem:s26+$0x0];
	_ =	sdelay $0x2  }
0xc2: {  	v59 =	vbroadcast v48, $0xB;
	_ =	sdelay $0x1  }
0xc3: {  	v2 =	vmul.f32 v2, v59;
	_ =	sdelay $0x1  }
0xc4: {  	[tilespmem:s13+$0xC0] =	vst v2  }
0xc5: {  	v2 =	vld [tilespmem:s26+$0x10];
	_ =	sdelay $0x4  }
0xc6: {  	v2 =	vmul.f32 v2, v59;
	_ =	sdelay $0x1  }
0xc7: {  	[tilespmem:s13+$0xD0] =	vst v2  }
0xc8: {  	(v2sf) =	vpush v1, $0xC;
	v2 =	vld [tilespmem:s26+$0x20];
	_ =	sdelay $0x4  }
0xc9: {  	v2 =	vmul.f32 v2, v59;
	_ =	sdelay $0x1  }
0xca: {  	[tilespmem:s13+$0xE0] =	vst v2  }
0xcb: {  	v2 =	vld [tilespmem:s26+$0x30];
	_ =	sdelay $0x4  }
0xcc: {  	v2 =	vmul.f32 v2, v59;
	_ =	sdelay $0x1  }
0xcd: {  	s28 =	spop (v2sf);
	[tilespmem:s13+$0xF0] =	vst v2  }
0xce: {  	v2 =	vld [tilespmem:s28+$0x0];
	_ =	sdelay $0x2  }
0xcf: {  	v60 =	vbroadcast v48, $0xC;
	_ =	sdelay $0x1  }
0xd0: {  	v2 =	vmul.f32 v2, v60;
	_ =	sdelay $0x1  }
0xd1: {  	[tilespmem:s13+$0x100] =	vst v2  }
0xd2: {  	v2 =	vld [tilespmem:s28+$0x10];
	_ =	sdelay $0x4  }
0xd3: {  	v2 =	vmul.f32 v2, v60;
	_ =	sdelay $0x1  }
0xd4: {  	[tilespmem:s13+$0x110] =	vst v2  }
0xd5: {  	(v2sf) =	vpush v1, $0xD;
	v2 =	vld [tilespmem:s28+$0x20];
	_ =	sdelay $0x4  }
0xd6: {  	v2 =	vmul.f32 v2, v60;
	_ =	sdelay $0x1  }
0xd7: {  	[tilespmem:s13+$0x120] =	vst v2  }
0xd8: {  	v2 =	vld [tilespmem:s28+$0x30];
	_ =	sdelay $0x4  }
0xd9: {  	v2 =	vmul.f32 v2, v60;
	_ =	sdelay $0x1  }
0xda: {  	s29 =	spop (v2sf);
	[tilespmem:s13+$0x130] =	vst v2  }
0xdb: {  	v2 =	vld [tilespmem:s29+$0x0];
	_ =	sdelay $0x2  }
0xdc: {  	v61 =	vbroadcast v48, $0xD;
	_ =	sdelay $0x1  }
0xdd: {  	v2 =	vmul.f32 v2, v61;
	_ =	sdelay $0x1  }
0xde: {  	[tilespmem:s13+$0x140] =	vst v2  }
0xdf: {  	v2 =	vld [tilespmem:s29+$0x10];
	_ =	sdelay $0x4  }
0xe0: {  	v2 =	vmul.f32 v2, v61;
	_ =	sdelay $0x1  }
0xe1: {  	[tilespmem:s13+$0x150] =	vst v2  }
0xe2: {  	(v2sf) =	vpush v1, $0xE;
	v2 =	vld [tilespmem:s29+$0x20];
	_ =	sdelay $0x4  }
0xe3: {  	v2 =	vmul.f32 v2, v61;
	_ =	sdelay $0x1  }
0xe4: {  	[tilespmem:s13+$0x160] =	vst v2  }
0xe5: {  	v2 =	vld [tilespmem:s29+$0x30];
	_ =	sdelay $0x4  }
0xe6: {  	v2 =	vmul.f32 v2, v61;
	_ =	sdelay $0x1  }
0xe7: {  	s30 =	spop (v2sf);
	[tilespmem:s13+$0x170] =	vst v2  }
0xe8: {  	v2 =	vld [tilespmem:s30+$0x0];
	_ =	sdelay $0x2  }
0xe9: {  	v62 =	vbroadcast v48, $0xE;
	_ =	sdelay $0x1  }
0xea: {  	v2 =	vmul.f32 v2, v62;
	_ =	sdelay $0x1  }
0xeb: {  	[tilespmem:s13+$0x180] =	vst v2  }
0xec: {  	v2 =	vld [tilespmem:s30+$0x10];
	_ =	sdelay $0x4  }
0xed: {  	v2 =	vmul.f32 v2, v62;
	_ =	sdelay $0x1  }
0xee: {  	[tilespmem:s13+$0x190] =	vst v2  }
0xef: {  	(v2sf) =	vpush v1, $0xF;
	v63 =	vld [tilespmem:s30+$0x20];
	_ =	sdelay $0x4  }
0xf0: {  	v1 =	vmul.f32 v63, v62;
	_ =	sdelay $0x1  }
0xf1: {  	[tilespmem:s13+$0x1A0] =	vst v1  }
0xf2: {  	v1 =	vld [tilespmem:s30+$0x30];
	_ =	sdelay $0x4  }
0xf3: {  	v1 =	vmul.f32 v1, v62;
	_ =	sdelay $0x1  }
0xf4: {  	s31 =	spop (v2sf);
	[tilespmem:s13+$0x1B0] =	vst v1  }
0xf5: {  	v1 =	vld [tilespmem:s31+$0x0];
	_ =	sdelay $0x2  }
0xf6: {  	v0 =	vbroadcast v48, $0xF;
	_ =	sdelay $0x1  }
0xf7: {  	v1 =	vmul.f32 v1, v0;
	_ =	sdelay $0x1  }
0xf8: {  	[tilespmem:s13+$0x1C0] =	vst v1  }
0xf9: {  	v1 =	vld [tilespmem:s31+$0x10];
	_ =	sdelay $0x4  }
0xfa: {  	v1 =	vmul.f32 v1, v0;
	_ =	sdelay $0x1  }
0xfb: {  	[tilespmem:s13+$0x1D0] =	vst v1  }
0xfc: {  	v1 =	vld [tilespmem:s31+$0x20];
	_ =	sdelay $0x4  }
0xfd: {  	v1 =	vmul.f32 v1, v0;
	_ =	sdelay $0x1  }
0xfe: {  	[tilespmem:s13+$0x1E0] =	vst v1  }
0xff: {  	v1 =	vld [tilespmem:s31+$0x30];
	_ =	sdelay $0x4  }
0x100: {  	v0 =	vmul.f32 v1, v0;
	_ =	sdelay $0x1  }
0x101: {  	s0 =	simm.s32 $0x10;
	s15 =	simm.s32 $0x80;
	[tilespmem:s13+$0x1F0] =	vst v0  }
.LBB2_3:
0x102: {  	p0 =	sne.s32 s15, $0x3C0;
	v0 =	vld [tilespmem:s0+$0x8000];
	_ =	sdelay $0x4  }
0x103: {  	v1 =	vshll.u32 v0, $0x6  }
0x104: {  	(v2sf) =	vpush v1, $0x0  }
0x105: {  	(v2sf) =	vpush v1, $0x1  }
0x106: {  	(v2sf) =	vpush v1, $0x2  }
0x107: {  	(v2sf) =	vpush v1, $0x3  }
0x108: {  	(v2sf) =	vpush v1, $0x4  }
0x109: {  	(v2sf) =	vpush v1, $0x5  }
0x10a: {  	(v2sf) =	vpush v1, $0x6  }
0x10b: {  	(v2sf) =	vpush v1, $0x7  }
0x10c: {  	(v2sf) =	vpush v1, $0x8  }
0x10d: {  	(v2sf) =	vpush v1, $0x9  }
0x10e: {  	(v2sf) =	vpush v1, $0xA  }
0x10f: {  	(v2sf) =	vpush v1, $0xB  }
0x110: {  	(v2sf) =	vpush v1, $0xC  }
0x111: {  	(v2sf) =	vpush v1, $0xD  }
0x112: {  	v0 =	vld [tilespmem:s0+$0x8100];
	(v2sf) =	vpush v1, $0xE  }
0x113: {  	s4 =	spop (v2sf);
	(v2sf) =	vpush v1, $0xF  }
0x114: {  	v1 =	vld [tilespmem:s4+$0x0];
	s6 =	spop (v2sf)  }
0x115: {  	s0 =	spop (v2sf)  }
0x116: {  	s31 =	spop (v2sf)  }
0x117: {  	v2 =	vbroadcast v0, $0x0;
	s30 =	spop (v2sf)  }
0x118: {  	s29 =	spop (v2sf)  }
0x119: {  	v1 =	vmul.f32 v2, v1;
	s28 =	spop (v2sf)  }
0x11a: {  	s13 =	sadd.s32 $0x400, s13;
	s26 =	spop (v2sf)  }
0x11b: {  	[tilespmem:s13+$0xFFFFFE00] =	vst v1;
	s25 =	spop (v2sf)  }
0x11c: {  	v1 =	vld [tilespmem:s4+$0x10];
	s24 =	spop (v2sf)  }
0x11d: {  	s23 =	spop (v2sf)  }
0x11e: {  	s17 =	spop (v2sf)  }
0x11f: {  	s16 =	spop (v2sf)  }
0x120: {  	s3 =	spop (v2sf)  }
0x121: {  	v1 =	vmul.f32 v1, v2;
	s2 =	spop (v2sf)  }
0x122: {  	s1 =	spop (v2sf)  }
0x123: {  	[tilespmem:s13+$0xFFFFFE10] =	vst v1  }
0x124: {  	v1 =	vld [tilespmem:s4+$0x20];
	_ =	sdelay $0x4  }
0x125: {  	v1 =	vmul.f32 v1, v2;
	_ =	sdelay $0x1  }
0x126: {  	[tilespmem:s13+$0xFFFFFE20] =	vst v1  }
0x127: {  	v1 =	vld [tilespmem:s4+$0x30];
	_ =	sdelay $0x4  }
0x128: {  	v1 =	vmul.f32 v1, v2;
	_ =	sdelay $0x1  }
0x129: {  	[tilespmem:s13+$0xFFFFFE30] =	vst v1  }
0x12a: {  	v1 =	vld [tilespmem:s6+$0x0];
	_ =	sdelay $0x2  }
0x12b: {  	v2 =	vbroadcast v0, $0x1;
	_ =	sdelay $0x1  }
0x12c: {  	v1 =	vmul.f32 v1, v2;
	_ =	sdelay $0x1  }
0x12d: {  	[tilespmem:s13+$0xFFFFFE40] =	vst v1  }
0x12e: {  	v1 =	vld [tilespmem:s6+$0x10];
	_ =	sdelay $0x4  }
0x12f: {  	v1 =	vmul.f32 v1, v2;
	_ =	sdelay $0x1  }
0x130: {  	[tilespmem:s13+$0xFFFFFE50] =	vst v1  }
0x131: {  	v1 =	vld [tilespmem:s6+$0x20];
	_ =	sdelay $0x4  }
0x132: {  	v1 =	vmul.f32 v1, v2;
	_ =	sdelay $0x1  }
0x133: {  	[tilespmem:s13+$0xFFFFFE60] =	vst v1  }
0x134: {  	v1 =	vld [tilespmem:s6+$0x30];
	_ =	sdelay $0x4  }
0x135: {  	v1 =	vmul.f32 v1, v2;
	_ =	sdelay $0x1  }
0x136: {  	[tilespmem:s13+$0xFFFFFE70] =	vst v1  }
0x137: {  	v1 =	vld [tilespmem:s0+$0x0];
	_ =	sdelay $0x2  }
0x138: {  	v2 =	vbroadcast v0, $0x2;
	_ =	sdelay $0x1  }
0x139: {  	v1 =	vmul.f32 v1, v2;
	_ =	sdelay $0x1  }
0x13a: {  	[tilespmem:s13+$0xFFFFFE80] =	vst v1  }
0x13b: {  	v1 =	vld [tilespmem:s0+$0x10];
	_ =	sdelay $0x4  }
0x13c: {  	v1 =	vmul.f32 v1, v2;
	_ =	sdelay $0x1  }
0x13d: {  	[tilespmem:s13+$0xFFFFFE90] =	vst v1  }
0x13e: {  	v1 =	vld [tilespmem:s0+$0x20];
	_ =	sdelay $0x4  }
0x13f: {  	v1 =	vmul.f32 v1, v2;
	_ =	sdelay $0x1  }
0x140: {  	[tilespmem:s13+$0xFFFFFEA0] =	vst v1  }
0x141: {  	v1 =	vld [tilespmem:s0+$0x30];
	_ =	sdelay $0x4  }
0x142: {  	v1 =	vmul.f32 v1, v2;
	_ =	sdelay $0x1  }
0x143: {  	[tilespmem:s13+$0xFFFFFEB0] =	vst v1  }
0x144: {  	v1 =	vld [tilespmem:s31+$0x0];
	_ =	sdelay $0x2  }
0x145: {  	v2 =	vbroadcast v0, $0x3;
	_ =	sdelay $0x1  }
0x146: {  	v1 =	vmul.f32 v1, v2;
	_ =	sdelay $0x1  }
0x147: {  	[tilespmem:s13+$0xFFFFFEC0] =	vst v1  }
0x148: {  	v1 =	vld [tilespmem:s31+$0x10];
	_ =	sdelay $0x4  }
0x149: {  	v1 =	vmul.f32 v1, v2;
	_ =	sdelay $0x1  }
0x14a: {  	[tilespmem:s13+$0xFFFFFED0] =	vst v1  }
0x14b: {  	v1 =	vld [tilespmem:s31+$0x20];
	_ =	sdelay $0x4  }
0x14c: {  	v1 =	vmul.f32 v1, v2;
	_ =	sdelay $0x1  }
0x14d: {  	[tilespmem:s13+$0xFFFFFEE0] =	vst v1  }
0x14e: {  	v1 =	vld [tilespmem:s31+$0x30];
	_ =	sdelay $0x4  }
0x14f: {  	v1 =	vmul.f32 v1, v2;
	_ =	sdelay $0x1  }
0x150: {  	[tilespmem:s13+$0xFFFFFEF0] =	vst v1  }
0x151: {  	v1 =	vld [tilespmem:s30+$0x0];
	_ =	sdelay $0x2  }
0x152: {  	v2 =	vbroadcast v0, $0x4;
	_ =	sdelay $0x1  }
0x153: {  	v1 =	vmul.f32 v1, v2;
	_ =	sdelay $0x1  }
0x154: {  	[tilespmem:s13+$0xFFFFFF00] =	vst v1  }
0x155: {  	v1 =	vld [tilespmem:s30+$0x10];
	_ =	sdelay $0x4  }
0x156: {  	v1 =	vmul.f32 v1, v2;
	_ =	sdelay $0x1  }
0x157: {  	[tilespmem:s13+$0xFFFFFF10] =	vst v1  }
0x158: {  	v1 =	vld [tilespmem:s30+$0x20];
	_ =	sdelay $0x4  }
0x159: {  	v1 =	vmul.f32 v1, v2;
	_ =	sdelay $0x1  }
0x15a: {  	[tilespmem:s13+$0xFFFFFF20] =	vst v1  }
0x15b: {  	v1 =	vld [tilespmem:s30+$0x30];
	_ =	sdelay $0x4  }
0x15c: {  	v1 =	vmul.f32 v1, v2;
	_ =	sdelay $0x1  }
0x15d: {  	[tilespmem:s13+$0xFFFFFF30] =	vst v1  }
0x15e: {  	v1 =	vld [tilespmem:s29+$0x0];
	_ =	sdelay $0x2  }
0x15f: {  	v2 =	vbroadcast v0, $0x5;
	_ =	sdelay $0x1  }
0x160: {  	v1 =	vmul.f32 v1, v2;
	_ =	sdelay $0x1  }
0x161: {  	[tilespmem:s13+$0xFFFFFF40] =	vst v1  }
0x162: {  	v1 =	vld [tilespmem:s29+$0x10];
	_ =	sdelay $0x4  }
0x163: {  	v1 =	vmul.f32 v1, v2;
	_ =	sdelay $0x1  }
0x164: {  	[tilespmem:s13+$0xFFFFFF50] =	vst v1  }
0x165: {  	v1 =	vld [tilespmem:s29+$0x20];
	_ =	sdelay $0x4  }
0x166: {  	v1 =	vmul.f32 v1, v2;
	_ =	sdelay $0x1  }
0x167: {  	[tilespmem:s13+$0xFFFFFF60] =	vst v1  }
0x168: {  	v1 =	vld [tilespmem:s29+$0x30];
	_ =	sdelay $0x4  }
0x169: {  	v1 =	vmul.f32 v1, v2;
	_ =	sdelay $0x1  }
0x16a: {  	[tilespmem:s13+$0xFFFFFF70] =	vst v1  }
0x16b: {  	v1 =	vld [tilespmem:s28+$0x0];
	_ =	sdelay $0x2  }
0x16c: {  	v2 =	vbroadcast v0, $0x6;
	_ =	sdelay $0x1  }
0x16d: {  	v1 =	vmul.f32 v1, v2;
	_ =	sdelay $0x1  }
0x16e: {  	[tilespmem:s13+$0xFFFFFF80] =	vst v1  }
0x16f: {  	v1 =	vld [tilespmem:s28+$0x10];
	_ =	sdelay $0x4  }
0x170: {  	v1 =	vmul.f32 v1, v2;
	_ =	sdelay $0x1  }
0x171: {  	[tilespmem:s13+$0xFFFFFF90] =	vst v1  }
0x172: {  	v1 =	vld [tilespmem:s28+$0x20];
	_ =	sdelay $0x4  }
0x173: {  	v1 =	vmul.f32 v1, v2;
	_ =	sdelay $0x1  }
0x174: {  	[tilespmem:s13+$0xFFFFFFA0] =	vst v1  }
0x175: {  	v1 =	vld [tilespmem:s28+$0x30];
	_ =	sdelay $0x4  }
0x176: {  	v1 =	vmul.f32 v1, v2;
	_ =	sdelay $0x1  }
0x177: {  	[tilespmem:s13+$0xFFFFFFB0] =	vst v1  }
0x178: {  	v1 =	vld [tilespmem:s26+$0x0];
	_ =	sdelay $0x2  }
0x179: {  	v2 =	vbroadcast v0, $0x7;
	_ =	sdelay $0x1  }
0x17a: {  	v1 =	vmul.f32 v1, v2;
	_ =	sdelay $0x1  }
0x17b: {  	[tilespmem:s13+$0xFFFFFFC0] =	vst v1  }
0x17c: {  	v1 =	vld [tilespmem:s26+$0x10];
	_ =	sdelay $0x4  }
0x17d: {  	v1 =	vmul.f32 v1, v2;
	_ =	sdelay $0x1  }
0x17e: {  	[tilespmem:s13+$0xFFFFFFD0] =	vst v1  }
0x17f: {  	v1 =	vld [tilespmem:s26+$0x20];
	_ =	sdelay $0x4  }
0x180: {  	v1 =	vmul.f32 v1, v2;
	_ =	sdelay $0x1  }
0x181: {  	[tilespmem:s13+$0xFFFFFFE0] =	vst v1  }
0x182: {  	v1 =	vld [tilespmem:s26+$0x30];
	_ =	sdelay $0x4  }
0x183: {  	v1 =	vmul.f32 v1, v2;
	_ =	sdelay $0x1  }
0x184: {  	[tilespmem:s13+$0xFFFFFFF0] =	vst v1  }
0x185: {  	v1 =	vld [tilespmem:s25+$0x0];
	_ =	sdelay $0x2  }
0x186: {  	v2 =	vbroadcast v0, $0x8;
	_ =	sdelay $0x1  }
0x187: {  	v1 =	vmul.f32 v1, v2;
	_ =	sdelay $0x1  }
0x188: {  	[tilespmem:s13+$0x0] =	vst v1  }
0x189: {  	v1 =	vld [tilespmem:s25+$0x10];
	_ =	sdelay $0x4  }
0x18a: {  	v1 =	vmul.f32 v1, v2;
	_ =	sdelay $0x1  }
0x18b: {  	[tilespmem:s13+$0x10] =	vst v1  }
0x18c: {  	v1 =	vld [tilespmem:s25+$0x20];
	_ =	sdelay $0x4  }
0x18d: {  	v1 =	vmul.f32 v1, v2;
	_ =	sdelay $0x1  }
0x18e: {  	[tilespmem:s13+$0x20] =	vst v1  }
0x18f: {  	v1 =	vld [tilespmem:s25+$0x30];
	_ =	sdelay $0x4  }
0x190: {  	v1 =	vmul.f32 v1, v2;
	_ =	sdelay $0x1  }
0x191: {  	[tilespmem:s13+$0x30] =	vst v1  }
0x192: {  	v1 =	vld [tilespmem:s24+$0x0];
	_ =	sdelay $0x2  }
0x193: {  	v2 =	vbroadcast v0, $0x9;
	_ =	sdelay $0x1  }
0x194: {  	v1 =	vmul.f32 v1, v2;
	_ =	sdelay $0x1  }
0x195: {  	[tilespmem:s13+$0x40] =	vst v1  }
0x196: {  	v1 =	vld [tilespmem:s24+$0x10];
	_ =	sdelay $0x4  }
0x197: {  	v1 =	vmul.f32 v1, v2;
	_ =	sdelay $0x1  }
0x198: {  	[tilespmem:s13+$0x50] =	vst v1  }
0x199: {  	v1 =	vld [tilespmem:s24+$0x20];
	_ =	sdelay $0x4  }
0x19a: {  	v1 =	vmul.f32 v1, v2;
	_ =	sdelay $0x1  }
0x19b: {  	[tilespmem:s13+$0x60] =	vst v1  }
0x19c: {  	v1 =	vld [tilespmem:s24+$0x30];
	_ =	sdelay $0x4  }
0x19d: {  	v1 =	vmul.f32 v1, v2;
	_ =	sdelay $0x1  }
0x19e: {  	[tilespmem:s13+$0x70] =	vst v1  }
0x19f: {  	v1 =	vld [tilespmem:s23+$0x0];
	_ =	sdelay $0x2  }
0x1a0: {  	v2 =	vbroadcast v0, $0xA;
	_ =	sdelay $0x1  }
0x1a1: {  	v1 =	vmul.f32 v1, v2;
	_ =	sdelay $0x1  }
0x1a2: {  	[tilespmem:s13+$0x80] =	vst v1  }
0x1a3: {  	v1 =	vld [tilespmem:s23+$0x10];
	_ =	sdelay $0x4  }
0x1a4: {  	v1 =	vmul.f32 v1, v2;
	_ =	sdelay $0x1  }
0x1a5: {  	[tilespmem:s13+$0x90] =	vst v1  }
0x1a6: {  	v1 =	vld [tilespmem:s23+$0x20];
	_ =	sdelay $0x4  }
0x1a7: {  	v1 =	vmul.f32 v1, v2;
	_ =	sdelay $0x1  }
0x1a8: {  	[tilespmem:s13+$0xA0] =	vst v1  }
0x1a9: {  	v1 =	vld [tilespmem:s23+$0x30];
	_ =	sdelay $0x4  }
0x1aa: {  	v1 =	vmul.f32 v1, v2;
	_ =	sdelay $0x1  }
0x1ab: {  	[tilespmem:s13+$0xB0] =	vst v1  }
0x1ac: {  	v1 =	vld [tilespmem:s17+$0x0];
	_ =	sdelay $0x2  }
0x1ad: {  	v2 =	vbroadcast v0, $0xB;
	_ =	sdelay $0x1  }
0x1ae: {  	v1 =	vmul.f32 v1, v2;
	_ =	sdelay $0x1  }
0x1af: {  	[tilespmem:s13+$0xC0] =	vst v1  }
0x1b0: {  	v1 =	vld [tilespmem:s17+$0x10];
	_ =	sdelay $0x4  }
0x1b1: {  	v1 =	vmul.f32 v1, v2;
	_ =	sdelay $0x1  }
0x1b2: {  	[tilespmem:s13+$0xD0] =	vst v1  }
0x1b3: {  	v1 =	vld [tilespmem:s17+$0x20];
	_ =	sdelay $0x4  }
0x1b4: {  	v1 =	vmul.f32 v1, v2;
	_ =	sdelay $0x1  }
0x1b5: {  	[tilespmem:s13+$0xE0] =	vst v1  }
0x1b6: {  	v1 =	vld [tilespmem:s17+$0x30];
	_ =	sdelay $0x4  }
0x1b7: {  	v1 =	vmul.f32 v1, v2;
	_ =	sdelay $0x1  }
0x1b8: {  	[tilespmem:s13+$0xF0] =	vst v1  }
0x1b9: {  	v1 =	vld [tilespmem:s16+$0x0];
	_ =	sdelay $0x2  }
0x1ba: {  	v2 =	vbroadcast v0, $0xC;
	_ =	sdelay $0x1  }
0x1bb: {  	v1 =	vmul.f32 v1, v2;
	_ =	sdelay $0x1  }
0x1bc: {  	[tilespmem:s13+$0x100] =	vst v1  }
0x1bd: {  	v1 =	vld [tilespmem:s16+$0x10];
	_ =	sdelay $0x4  }
0x1be: {  	v1 =	vmul.f32 v1, v2;
	_ =	sdelay $0x1  }
0x1bf: {  	[tilespmem:s13+$0x110] =	vst v1  }
0x1c0: {  	v1 =	vld [tilespmem:s16+$0x20];
	_ =	sdelay $0x4  }
0x1c1: {  	v1 =	vmul.f32 v1, v2;
	_ =	sdelay $0x1  }
0x1c2: {  	[tilespmem:s13+$0x120] =	vst v1  }
0x1c3: {  	v1 =	vld [tilespmem:s16+$0x30];
	_ =	sdelay $0x4  }
0x1c4: {  	v1 =	vmul.f32 v1, v2;
	_ =	sdelay $0x1  }
0x1c5: {  	[tilespmem:s13+$0x130] =	vst v1  }
0x1c6: {  	v1 =	vld [tilespmem:s3+$0x0];
	_ =	sdelay $0x2  }
0x1c7: {  	v2 =	vbroadcast v0, $0xD;
	_ =	sdelay $0x1  }
0x1c8: {  	v1 =	vmul.f32 v1, v2;
	_ =	sdelay $0x1  }
0x1c9: {  	[tilespmem:s13+$0x140] =	vst v1  }
0x1ca: {  	v1 =	vld [tilespmem:s3+$0x10];
	_ =	sdelay $0x4  }
0x1cb: {  	v1 =	vmul.f32 v1, v2;
	_ =	sdelay $0x1  }
0x1cc: {  	[tilespmem:s13+$0x150] =	vst v1  }
0x1cd: {  	v1 =	vld [tilespmem:s3+$0x20];
	_ =	sdelay $0x4  }
0x1ce: {  	v1 =	vmul.f32 v1, v2;
	_ =	sdelay $0x1  }
0x1cf: {  	[tilespmem:s13+$0x160] =	vst v1  }
0x1d0: {  	v1 =	vld [tilespmem:s3+$0x30];
	_ =	sdelay $0x4  }
0x1d1: {  	v1 =	vmul.f32 v1, v2;
	_ =	sdelay $0x1  }
0x1d2: {  	[tilespmem:s13+$0x170] =	vst v1  }
0x1d3: {  	v1 =	vld [tilespmem:s2+$0x0];
	_ =	sdelay $0x2  }
0x1d4: {  	v2 =	vbroadcast v0, $0xE;
	_ =	sdelay $0x1  }
0x1d5: {  	v1 =	vmul.f32 v1, v2;
	_ =	sdelay $0x1  }
0x1d6: {  	[tilespmem:s13+$0x180] =	vst v1  }
0x1d7: {  	v1 =	vld [tilespmem:s2+$0x10];
	_ =	sdelay $0x4  }
0x1d8: {  	v1 =	vmul.f32 v1, v2;
	_ =	sdelay $0x1  }
0x1d9: {  	[tilespmem:s13+$0x190] =	vst v1  }
0x1da: {  	v1 =	vld [tilespmem:s2+$0x20];
	_ =	sdelay $0x4  }
0x1db: {  	v1 =	vmul.f32 v1, v2;
	_ =	sdelay $0x1  }
0x1dc: {  	[tilespmem:s13+$0x1A0] =	vst v1  }
0x1dd: {  	v1 =	vld [tilespmem:s2+$0x30];
	_ =	sdelay $0x4  }
0x1de: {  	v1 =	vmul.f32 v1, v2;
	_ =	sdelay $0x1  }
0x1df: {  	[tilespmem:s13+$0x1B0] =	vst v1  }
0x1e0: {  	v1 =	vld [tilespmem:s1+$0x0];
	_ =	sdelay $0x2  }
0x1e1: {  	v0 =	vbroadcast v0, $0xF;
	_ =	sdelay $0x1  }
0x1e2: {  	v1 =	vmul.f32 v1, v0;
	_ =	sdelay $0x1  }
0x1e3: {  	[tilespmem:s13+$0x1C0] =	vst v1  }
0x1e4: {  	v1 =	vld [tilespmem:s1+$0x10];
	_ =	sdelay $0x4  }
0x1e5: {  	v1 =	vmul.f32 v1, v0;
	_ =	sdelay $0x1  }
0x1e6: {  	[tilespmem:s13+$0x1D0] =	vst v1  }
0x1e7: {  	v1 =	vld [tilespmem:s1+$0x20];
	_ =	sdelay $0x4  }
0x1e8: {  	v1 =	vmul.f32 v1, v0;
	_ =	sdelay $0x1  }
0x1e9: {  	[tilespmem:s13+$0x1E0] =	vst v1  }
0x1ea: {  	v1 =	vld [tilespmem:s1+$0x30];
	_ =	sdelay $0x2  }
.Ltmp0:
0x1eb: {  	(pc) =	sbr.rel @p0 .LBB2_3-.Ltmp0, $3  }
0x1ec: {  	_ = 	snop  }
0x1ed: {  	v0 =	vmul.f32 v1, v0;
	_ =	sdelay $0x1  }
0x1ee: {  	s0 =	sshra.s32 s15, $0x2;
	s15 =	sadd.s32 $0x40, s15;
	[tilespmem:s13+$0x1F0] =	vst v0  }
0x1ef: {  	v0 =	vld [tilespmem:s0+$0x8000];
	_ =	sdelay $0x4  }
0x1f0: {  	v1 =	vshll.u32 v0, $0x6  }
0x1f1: {  	(v2sf) =	vpush v1, $0x0;
	_ =	sdelay $0xd  }
0x1f2: {  	v48 =	vld [tilespmem:s0+$0x8100]  }
0x1f3: {  	s15 =	spop (v2sf)  }
0x1f4: {  	v2 =	vld [tilespmem:s15+$0x0];
	_ =	sdelay $0x2  }
0x1f5: {  	v3 =	vbroadcast v48, $0x0;
	_ =	sdelay $0x1  }
0x1f6: {  	v2 =	vmul.f32 v3, v2  }
0x1f7: {  	s1 =	sadd.s32 $0x400, s13  }
0x1f8: {  	[tilespmem:s1+$0xFFFFFE00] =	vst v2  }
0x1f9: {  	v2 =	vld [tilespmem:s15+$0x10];
	_ =	sdelay $0x4  }
0x1fa: {  	v2 =	vmul.f32 v2, v3;
	_ =	sdelay $0x1  }
0x1fb: {  	[tilespmem:s1+$0xFFFFFE10] =	vst v2  }
0x1fc: {  	(v2sf) =	vpush v1, $0x1;
	v2 =	vld [tilespmem:s15+$0x20];
	_ =	sdelay $0x4  }
0x1fd: {  	v2 =	vmul.f32 v2, v3;
	_ =	sdelay $0x1  }
0x1fe: {  	[tilespmem:s1+$0xFFFFFE20] =	vst v2  }
0x1ff: {  	v2 =	vld [tilespmem:s15+$0x30];
	_ =	sdelay $0x4  }
0x200: {  	v2 =	vmul.f32 v2, v3;
	_ =	sdelay $0x1  }
0x201: {  	s16 =	spop (v2sf);
	[tilespmem:s1+$0xFFFFFE30] =	vst v2  }
0x202: {  	v2 =	vld [tilespmem:s16+$0x0];
	_ =	sdelay $0x2  }
0x203: {  	v49 =	vbroadcast v48, $0x1;
	_ =	sdelay $0x1  }
0x204: {  	v2 =	vmul.f32 v2, v49;
	_ =	sdelay $0x1  }
0x205: {  	[tilespmem:s1+$0xFFFFFE40] =	vst v2  }
0x206: {  	v2 =	vld [tilespmem:s16+$0x10];
	_ =	sdelay $0x4  }
0x207: {  	v2 =	vmul.f32 v2, v49;
	_ =	sdelay $0x1  }
0x208: {  	[tilespmem:s1+$0xFFFFFE50] =	vst v2  }
0x209: {  	(v2sf) =	vpush v1, $0x2;
	v2 =	vld [tilespmem:s16+$0x20];
	_ =	sdelay $0x4  }
0x20a: {  	v2 =	vmul.f32 v2, v49;
	_ =	sdelay $0x1  }
0x20b: {  	[tilespmem:s1+$0xFFFFFE60] =	vst v2  }
0x20c: {  	v2 =	vld [tilespmem:s16+$0x30];
	_ =	sdelay $0x4  }
0x20d: {  	v2 =	vmul.f32 v2, v49;
	_ =	sdelay $0x1  }
0x20e: {  	s17 =	spop (v2sf);
	[tilespmem:s1+$0xFFFFFE70] =	vst v2  }
0x20f: {  	v2 =	vld [tilespmem:s17+$0x0];
	_ =	sdelay $0x2  }
0x210: {  	v50 =	vbroadcast v48, $0x2;
	_ =	sdelay $0x1  }
0x211: {  	v2 =	vmul.f32 v2, v50;
	_ =	sdelay $0x1  }
0x212: {  	[tilespmem:s1+$0xFFFFFE80] =	vst v2  }
0x213: {  	v2 =	vld [tilespmem:s17+$0x10];
	_ =	sdelay $0x4  }
0x214: {  	v2 =	vmul.f32 v2, v50;
	_ =	sdelay $0x1  }
0x215: {  	[tilespmem:s1+$0xFFFFFE90] =	vst v2  }
0x216: {  	(v2sf) =	vpush v1, $0x3;
	v2 =	vld [tilespmem:s17+$0x20];
	_ =	sdelay $0x4  }
0x217: {  	v2 =	vmul.f32 v2, v50;
	_ =	sdelay $0x1  }
0x218: {  	[tilespmem:s1+$0xFFFFFEA0] =	vst v2  }
0x219: {  	v2 =	vld [tilespmem:s17+$0x30];
	_ =	sdelay $0x4  }
0x21a: {  	v2 =	vmul.f32 v2, v50;
	_ =	sdelay $0x1  }
0x21b: {  	s23 =	spop (v2sf);
	[tilespmem:s1+$0xFFFFFEB0] =	vst v2  }
0x21c: {  	v2 =	vld [tilespmem:s23+$0x0];
	_ =	sdelay $0x2  }
0x21d: {  	v51 =	vbroadcast v48, $0x3;
	_ =	sdelay $0x1  }
0x21e: {  	v2 =	vmul.f32 v2, v51;
	_ =	sdelay $0x1  }
0x21f: {  	[tilespmem:s1+$0xFFFFFEC0] =	vst v2  }
0x220: {  	v2 =	vld [tilespmem:s23+$0x10];
	_ =	sdelay $0x4  }
0x221: {  	v2 =	vmul.f32 v2, v51;
	_ =	sdelay $0x1  }
0x222: {  	[tilespmem:s1+$0xFFFFFED0] =	vst v2  }
0x223: {  	(v2sf) =	vpush v1, $0x4;
	v2 =	vld [tilespmem:s23+$0x20];
	_ =	sdelay $0x4  }
0x224: {  	v2 =	vmul.f32 v2, v51;
	_ =	sdelay $0x1  }
0x225: {  	[tilespmem:s1+$0xFFFFFEE0] =	vst v2  }
0x226: {  	v2 =	vld [tilespmem:s23+$0x30];
	_ =	sdelay $0x4  }
0x227: {  	v2 =	vmul.f32 v2, v51;
	_ =	sdelay $0x1  }
0x228: {  	s24 =	spop (v2sf);
	[tilespmem:s1+$0xFFFFFEF0] =	vst v2  }
0x229: {  	v2 =	vld [tilespmem:s24+$0x0];
	_ =	sdelay $0x2  }
0x22a: {  	v52 =	vbroadcast v48, $0x4;
	_ =	sdelay $0x1  }
0x22b: {  	v2 =	vmul.f32 v2, v52;
	_ =	sdelay $0x1  }
0x22c: {  	[tilespmem:s1+$0xFFFFFF00] =	vst v2  }
0x22d: {  	v2 =	vld [tilespmem:s24+$0x10];
	_ =	sdelay $0x4  }
0x22e: {  	v2 =	vmul.f32 v2, v52;
	_ =	sdelay $0x1  }
0x22f: {  	[tilespmem:s1+$0xFFFFFF10] =	vst v2  }
0x230: {  	(v2sf) =	vpush v1, $0x5;
	v2 =	vld [tilespmem:s24+$0x20];
	_ =	sdelay $0x4  }
0x231: {  	v2 =	vmul.f32 v2, v52;
	_ =	sdelay $0x1  }
0x232: {  	[tilespmem:s1+$0xFFFFFF20] =	vst v2  }
0x233: {  	v2 =	vld [tilespmem:s24+$0x30];
	_ =	sdelay $0x4  }
0x234: {  	v2 =	vmul.f32 v2, v52;
	_ =	sdelay $0x1  }
0x235: {  	s25 =	spop (v2sf);
	[tilespmem:s1+$0xFFFFFF30] =	vst v2  }
0x236: {  	v2 =	vld [tilespmem:s25+$0x0];
	_ =	sdelay $0x2  }
0x237: {  	v53 =	vbroadcast v48, $0x5;
	_ =	sdelay $0x1  }
0x238: {  	v2 =	vmul.f32 v2, v53;
	_ =	sdelay $0x1  }
0x239: {  	[tilespmem:s1+$0xFFFFFF40] =	vst v2  }
0x23a: {  	v2 =	vld [tilespmem:s25+$0x10];
	_ =	sdelay $0x4  }
0x23b: {  	v2 =	vmul.f32 v2, v53;
	_ =	sdelay $0x1  }
0x23c: {  	[tilespmem:s1+$0xFFFFFF50] =	vst v2  }
0x23d: {  	(v2sf) =	vpush v1, $0x6;
	v2 =	vld [tilespmem:s25+$0x20];
	_ =	sdelay $0x4  }
0x23e: {  	v2 =	vmul.f32 v2, v53;
	_ =	sdelay $0x1  }
0x23f: {  	[tilespmem:s1+$0xFFFFFF60] =	vst v2  }
0x240: {  	v2 =	vld [tilespmem:s25+$0x30];
	_ =	sdelay $0x4  }
0x241: {  	v2 =	vmul.f32 v2, v53;
	_ =	sdelay $0x1  }
0x242: {  	s26 =	spop (v2sf);
	[tilespmem:s1+$0xFFFFFF70] =	vst v2  }
0x243: {  	v2 =	vld [tilespmem:s26+$0x0];
	_ =	sdelay $0x2  }
0x244: {  	v54 =	vbroadcast v48, $0x6;
	_ =	sdelay $0x1  }
0x245: {  	v2 =	vmul.f32 v2, v54;
	_ =	sdelay $0x1  }
0x246: {  	[tilespmem:s1+$0xFFFFFF80] =	vst v2  }
0x247: {  	v2 =	vld [tilespmem:s26+$0x10];
	_ =	sdelay $0x4  }
0x248: {  	v2 =	vmul.f32 v2, v54;
	_ =	sdelay $0x1  }
0x249: {  	[tilespmem:s1+$0xFFFFFF90] =	vst v2  }
0x24a: {  	(v2sf) =	vpush v1, $0x7;
	v2 =	vld [tilespmem:s26+$0x20];
	_ =	sdelay $0x4  }
0x24b: {  	v2 =	vmul.f32 v2, v54;
	_ =	sdelay $0x1  }
0x24c: {  	[tilespmem:s1+$0xFFFFFFA0] =	vst v2  }
0x24d: {  	v2 =	vld [tilespmem:s26+$0x30];
	_ =	sdelay $0x4  }
0x24e: {  	v2 =	vmul.f32 v2, v54;
	_ =	sdelay $0x1  }
0x24f: {  	s28 =	spop (v2sf);
	[tilespmem:s1+$0xFFFFFFB0] =	vst v2  }
0x250: {  	v2 =	vld [tilespmem:s28+$0x0];
	_ =	sdelay $0x2  }
0x251: {  	v55 =	vbroadcast v48, $0x7;
	_ =	sdelay $0x1  }
0x252: {  	v2 =	vmul.f32 v2, v55;
	_ =	sdelay $0x1  }
0x253: {  	[tilespmem:s1+$0xFFFFFFC0] =	vst v2  }
0x254: {  	v2 =	vld [tilespmem:s28+$0x10];
	_ =	sdelay $0x4  }
0x255: {  	v2 =	vmul.f32 v2, v55;
	_ =	sdelay $0x1  }
0x256: {  	[tilespmem:s1+$0xFFFFFFD0] =	vst v2  }
0x257: {  	(v2sf) =	vpush v1, $0x8;
	v2 =	vld [tilespmem:s28+$0x20];
	_ =	sdelay $0x4  }
0x258: {  	v2 =	vmul.f32 v2, v55;
	_ =	sdelay $0x1  }
0x259: {  	[tilespmem:s1+$0xFFFFFFE0] =	vst v2  }
0x25a: {  	v2 =	vld [tilespmem:s28+$0x30];
	_ =	sdelay $0x4  }
0x25b: {  	v2 =	vmul.f32 v2, v55;
	_ =	sdelay $0x1  }
0x25c: {  	s29 =	spop (v2sf);
	[tilespmem:s1+$0xFFFFFFF0] =	vst v2  }
0x25d: {  	v2 =	vld [tilespmem:s29+$0x0];
	_ =	sdelay $0x2  }
0x25e: {  	v56 =	vbroadcast v48, $0x8;
	_ =	sdelay $0x1  }
0x25f: {  	v2 =	vmul.f32 v2, v56;
	_ =	sdelay $0x1  }
0x260: {  	[tilespmem:s1+$0x0] =	vst v2  }
0x261: {  	v2 =	vld [tilespmem:s29+$0x10];
	_ =	sdelay $0x4  }
0x262: {  	v2 =	vmul.f32 v2, v56;
	_ =	sdelay $0x1  }
0x263: {  	[tilespmem:s1+$0x10] =	vst v2  }
0x264: {  	(v2sf) =	vpush v1, $0x9;
	v2 =	vld [tilespmem:s29+$0x20];
	_ =	sdelay $0x4  }
0x265: {  	v2 =	vmul.f32 v2, v56;
	_ =	sdelay $0x1  }
0x266: {  	[tilespmem:s1+$0x20] =	vst v2  }
0x267: {  	v2 =	vld [tilespmem:s29+$0x30];
	_ =	sdelay $0x4  }
0x268: {  	v2 =	vmul.f32 v2, v56;
	_ =	sdelay $0x1  }
0x269: {  	s30 =	spop (v2sf);
	[tilespmem:s1+$0x30] =	vst v2  }
0x26a: {  	v2 =	vld [tilespmem:s30+$0x0];
	_ =	sdelay $0x2  }
0x26b: {  	v57 =	vbroadcast v48, $0x9;
	_ =	sdelay $0x1  }
0x26c: {  	v2 =	vmul.f32 v2, v57;
	_ =	sdelay $0x1  }
0x26d: {  	[tilespmem:s1+$0x40] =	vst v2  }
0x26e: {  	v2 =	vld [tilespmem:s30+$0x10];
	_ =	sdelay $0x4  }
0x26f: {  	v2 =	vmul.f32 v2, v57;
	_ =	sdelay $0x1  }
0x270: {  	[tilespmem:s1+$0x50] =	vst v2  }
0x271: {  	(v2sf) =	vpush v1, $0xA;
	v2 =	vld [tilespmem:s30+$0x20];
	_ =	sdelay $0x4  }
0x272: {  	v2 =	vmul.f32 v2, v57;
	_ =	sdelay $0x1  }
0x273: {  	[tilespmem:s1+$0x60] =	vst v2  }
0x274: {  	v2 =	vld [tilespmem:s30+$0x30];
	_ =	sdelay $0x4  }
0x275: {  	v2 =	vmul.f32 v2, v57;
	_ =	sdelay $0x1  }
0x276: {  	s31 =	spop (v2sf);
	[tilespmem:s1+$0x70] =	vst v2  }
0x277: {  	v2 =	vld [tilespmem:s31+$0x0];
	_ =	sdelay $0x2  }
0x278: {  	v58 =	vbroadcast v48, $0xA;
	_ =	sdelay $0x1  }
0x279: {  	v2 =	vmul.f32 v2, v58;
	_ =	sdelay $0x1  }
0x27a: {  	[tilespmem:s1+$0x80] =	vst v2  }
0x27b: {  	v2 =	vld [tilespmem:s31+$0x10];
	_ =	sdelay $0x4  }
0x27c: {  	v2 =	vmul.f32 v2, v58;
	_ =	sdelay $0x1  }
0x27d: {  	[tilespmem:s1+$0x90] =	vst v2  }
0x27e: {  	(v2sf) =	vpush v1, $0xB;
	v2 =	vld [tilespmem:s31+$0x20];
	_ =	sdelay $0x4  }
0x27f: {  	v2 =	vmul.f32 v2, v58;
	_ =	sdelay $0x1  }
0x280: {  	[tilespmem:s1+$0xA0] =	vst v2  }
0x281: {  	v2 =	vld [tilespmem:s31+$0x30];
	_ =	sdelay $0x4  }
0x282: {  	v2 =	vmul.f32 v2, v58;
	_ =	sdelay $0x1  }
0x283: {  	s2 =	spop (v2sf);
	[tilespmem:s1+$0xB0] =	vst v2  }
0x284: {  	v2 =	vld [tilespmem:s2+$0x0];
	_ =	sdelay $0x2  }
0x285: {  	v59 =	vbroadcast v48, $0xB;
	_ =	sdelay $0x1  }
0x286: {  	v2 =	vmul.f32 v2, v59;
	_ =	sdelay $0x1  }
0x287: {  	[tilespmem:s1+$0xC0] =	vst v2  }
0x288: {  	v2 =	vld [tilespmem:s2+$0x10];
	_ =	sdelay $0x4  }
0x289: {  	v2 =	vmul.f32 v2, v59;
	_ =	sdelay $0x1  }
0x28a: {  	[tilespmem:s1+$0xD0] =	vst v2  }
0x28b: {  	(v2sf) =	vpush v1, $0xC;
	v2 =	vld [tilespmem:s2+$0x20];
	_ =	sdelay $0x4  }
0x28c: {  	v2 =	vmul.f32 v2, v59;
	_ =	sdelay $0x1  }
0x28d: {  	[tilespmem:s1+$0xE0] =	vst v2  }
0x28e: {  	v2 =	vld [tilespmem:s2+$0x30];
	_ =	sdelay $0x4  }
0x28f: {  	v2 =	vmul.f32 v2, v59;
	_ =	sdelay $0x1  }
0x290: {  	s3 =	spop (v2sf);
	[tilespmem:s1+$0xF0] =	vst v2  }
0x291: {  	v2 =	vld [tilespmem:s3+$0x0];
	_ =	sdelay $0x2  }
0x292: {  	v60 =	vbroadcast v48, $0xC;
	_ =	sdelay $0x1  }
0x293: {  	v2 =	vmul.f32 v2, v60;
	_ =	sdelay $0x1  }
0x294: {  	[tilespmem:s1+$0x100] =	vst v2  }
0x295: {  	v2 =	vld [tilespmem:s3+$0x10];
	_ =	sdelay $0x4  }
0x296: {  	v2 =	vmul.f32 v2, v60;
	_ =	sdelay $0x1  }
0x297: {  	[tilespmem:s1+$0x110] =	vst v2  }
0x298: {  	(v2sf) =	vpush v1, $0xD;
	v2 =	vld [tilespmem:s3+$0x20];
	_ =	sdelay $0x4  }
0x299: {  	v2 =	vmul.f32 v2, v60;
	_ =	sdelay $0x1  }
0x29a: {  	[tilespmem:s1+$0x120] =	vst v2  }
0x29b: {  	v2 =	vld [tilespmem:s3+$0x30];
	_ =	sdelay $0x4  }
0x29c: {  	v2 =	vmul.f32 v2, v60;
	_ =	sdelay $0x1  }
0x29d: {  	s4 =	spop (v2sf);
	[tilespmem:s1+$0x130] =	vst v2  }
0x29e: {  	v2 =	vld [tilespmem:s4+$0x0];
	_ =	sdelay $0x2  }
0x29f: {  	v61 =	vbroadcast v48, $0xD;
	_ =	sdelay $0x1  }
0x2a0: {  	v2 =	vmul.f32 v2, v61;
	_ =	sdelay $0x1  }
0x2a1: {  	[tilespmem:s1+$0x140] =	vst v2  }
0x2a2: {  	v2 =	vld [tilespmem:s4+$0x10];
	_ =	sdelay $0x4  }
0x2a3: {  	v2 =	vmul.f32 v2, v61;
	_ =	sdelay $0x1  }
0x2a4: {  	[tilespmem:s1+$0x150] =	vst v2  }
0x2a5: {  	(v2sf) =	vpush v1, $0xE;
	v2 =	vld [tilespmem:s4+$0x20];
	_ =	sdelay $0x4  }
0x2a6: {  	v2 =	vmul.f32 v2, v61;
	_ =	sdelay $0x1  }
0x2a7: {  	[tilespmem:s1+$0x160] =	vst v2  }
0x2a8: {  	v2 =	vld [tilespmem:s4+$0x30];
	_ =	sdelay $0x4  }
0x2a9: {  	v2 =	vmul.f32 v2, v61;
	_ =	sdelay $0x1  }
0x2aa: {  	s6 =	spop (v2sf);
	[tilespmem:s1+$0x170] =	vst v2  }
0x2ab: {  	v2 =	vld [tilespmem:s6+$0x0];
	_ =	sdelay $0x2  }
0x2ac: {  	v62 =	vbroadcast v48, $0xE;
	_ =	sdelay $0x1  }
0x2ad: {  	v2 =	vmul.f32 v2, v62;
	_ =	sdelay $0x1  }
0x2ae: {  	[tilespmem:s1+$0x180] =	vst v2  }
0x2af: {  	v2 =	vld [tilespmem:s6+$0x10];
	_ =	sdelay $0x4  }
0x2b0: {  	v2 =	vmul.f32 v2, v62;
	_ =	sdelay $0x1  }
0x2b1: {  	[tilespmem:s1+$0x190] =	vst v2  }
0x2b2: {  	(v2sf) =	vpush v1, $0xF;
	v63 =	vld [tilespmem:s6+$0x20];
	_ =	sdelay $0x4  }
0x2b3: {  	v1 =	vmul.f32 v63, v62;
	_ =	sdelay $0x1  }
0x2b4: {  	[tilespmem:s1+$0x1A0] =	vst v1  }
0x2b5: {  	v1 =	vld [tilespmem:s6+$0x30];
	_ =	sdelay $0x4  }
0x2b6: {  	v1 =	vmul.f32 v1, v62;
	_ =	sdelay $0x1  }
0x2b7: {  	s13 =	spop (v2sf);
	[tilespmem:s1+$0x1B0] =	vst v1  }
0x2b8: {  	v1 =	vld [tilespmem:s13+$0x0];
	_ =	sdelay $0x2  }
0x2b9: {  	v0 =	vbroadcast v48, $0xF;
	_ =	sdelay $0x1  }
0x2ba: {  	v1 =	vmul.f32 v1, v0;
	_ =	sdelay $0x1  }
0x2bb: {  	[tilespmem:s1+$0x1C0] =	vst v1  }
0x2bc: {  	v1 =	vld [tilespmem:s13+$0x10];
	_ =	sdelay $0x4  }
0x2bd: {  	v1 =	vmul.f32 v1, v0;
	_ =	sdelay $0x1  }
0x2be: {  	[tilespmem:s1+$0x1D0] =	vst v1  }
0x2bf: {  	v1 =	vld [tilespmem:s13+$0x20];
	_ =	sdelay $0x4  }
0x2c0: {  	v1 =	vmul.f32 v1, v0;
	_ =	sdelay $0x1  }
0x2c1: {  	[tilespmem:s1+$0x1E0] =	vst v1  }
0x2c2: {  	v1 =	vld [tilespmem:s13+$0x30];
	_ =	sdelay $0x4  }
0x2c3: {  	v0 =	vmul.f32 v1, v0;
	_ =	sdelay $0x1  }
0x2c4: {  	[tilespmem:s1+$0x1F0] =	vst v0  }
0x2c5: {  	_ =	swait.ge [sflag:s21], $0x100  }
0x2c6: {  	[sflag:s21] =	ssyncset.done $0x0  }
0x2c7: {  	s15 =	simm.s32 $0x8300;
	[sflag:s21] =	ssyncadd.s32 $0xFFFFFF00  }
0x2c8: {  	[spmem:s5] =	stream.indirect.scatter.add.f32 [tilespmem:s15], [sflag:$0x5], $0x40, s18, s22, $0xb8;
	[tilespmem:$0x1C300] =	vst v63  }
0x2c9: {  	_ =	swait.ge [sflag:s14], $0x800  }
0x2ca: {  	[sflag:s14] =	ssyncset.done $0x0  }
0x2cb: {  	s16 =	simm.s32 $0x8220;
	s17 =	simm.s32 $0x8B00;
	[sflag:s14] =	ssyncadd.s32 $0xFFFFF800  }
0x2cc: {  	[spmem:s5] =	stream.indirect.scatter.add.f32 [tilespmem:s17], [sflag:$0x5], $0x40, s16, s22, $0xb8;
	[tilespmem:$0x1C300] =	vst v63  }
0x2cd: {  	_ =	swait.ge [sflag:s14], $0x800  }
0x2ce: {  	[sflag:s14] =	ssyncset.done $0x0  }
0x2cf: {  	s23 =	simm.s32 $0x8240;
	s24 =	simm.s32 $0x9300;
	[sflag:s14] =	ssyncadd.s32 $0xFFFFF800  }
0x2d0: {  	[spmem:s5] =	stream.indirect.scatter.add.f32 [tilespmem:s24], [sflag:$0x5], $0x40, s23, s22, $0xb8;
	[tilespmem:$0x1C300] =	vst v63  }
0x2d1: {  	_ =	swait.ge [sflag:s14], $0x800  }
0x2d2: {  	[sflag:s14] =	ssyncset.done $0x0  }
0x2d3: {  	s25 =	simm.s32 $0x8260;
	s26 =	simm.s32 $0x9B00;
	[sflag:s14] =	ssyncadd.s32 $0xFFFFF800  }
0x2d4: {  	[spmem:s5] =	stream.indirect.scatter.add.f32 [tilespmem:s26], [sflag:$0x5], $0x40, s25, s22, $0xb8;
	[tilespmem:$0x1C300] =	vst v63  }
0x2d5: {  	_ =	swait.ge [sflag:s14], $0x800  }
0x2d6: {  	[sflag:s14] =	ssyncset.done $0x0  }
0x2d7: {  	s28 =	simm.s32 $0x8280;
	s29 =	simm.s32 $0xA300;
	[sflag:s14] =	ssyncadd.s32 $0xFFFFF800  }
0x2d8: {  	[spmem:s5] =	stream.indirect.scatter.add.f32 [tilespmem:s29], [sflag:$0x5], $0x40, s28, s22, $0xb8;
	[tilespmem:$0x1C300] =	vst v63  }
0x2d9: {  	_ =	swait.ge [sflag:s14], $0x800  }
0x2da: {  	[sflag:s14] =	ssyncset.done $0x0  }
0x2db: {  	s30 =	simm.s32 $0x82A0;
	s31 =	simm.s32 $0xAB00;
	[sflag:s14] =	ssyncadd.s32 $0xFFFFF800  }
0x2dc: {  	[spmem:s5] =	stream.indirect.scatter.add.f32 [tilespmem:s31], [sflag:$0x5], $0x40, s30, s22, $0xb8;
	[tilespmem:$0x1C300] =	vst v63  }
0x2dd: {  	_ =	swait.ge [sflag:s14], $0x800  }
0x2de: {  	[sflag:s14] =	ssyncset.done $0x0  }
0x2df: {  	[sflag:s14] =	ssyncadd.s32 $0xFFFFF800  }
0x2e0: {  	[spmem:s5] =	stream.indirect.scatter.add.f32 [tilespmem:s8], [sflag:$0x5], $0x40, s7, s22, $0xb8;
	[tilespmem:$0x1C300] =	vst v63  }
0x2e1: {  	s9 =	sadd.s32 $0x1, s9;
	_ =	swait.ge [sflag:s14], $0x800  }
0x2e2: {  	p0 =	sne.s32 s9, $0x34;
	[sflag:s14] =	ssyncset.done $0x0  }
.Ltmp1:
0x2e3: {  	[sflag:s14] =	ssyncadd.s32 $0xFFFFF800;
	(pc) =	sbr.rel @p0 .LBB2_2-.Ltmp1, $4  }
0x2e4: {  	[spmem:s5] =	stream.indirect.scatter.add.f32 [tilespmem:s12], [sflag:$0x5], $0x40, s11, s22, $0xb8;
	[tilespmem:$0x1C300] =	vst v63  }
0x2e5: {  	_ =	swait.ge [sflag:s14], $0x800  }
0x2e6: {  	[sflag:s14] =	ssyncset.done $0x0  }
0x2e7: {  	[sflag:s14] =	ssyncadd.s32 $0xFFFFF800  }
0x2e8: {  	[bflag:$0x0] =	sbarrier.arrive $0xFFFF  }
0x2e9: {  	s2 =	rddreg [dreg:$0x8]  }
0x2ea: {  	s0 =	rddreg [dreg:$0x9]  }
0x2eb: {  	s3 =	rddreg [dreg:$0xb]  }
0x2ec: {  	[hbm:s0], [sflag:s2] =	dma.local [spmem:s3], $0x2000  }
0x2ed: {  	_ =	swait.ge [sflag:s14], $0x2000  }
0x2ee: {  	s1 =	rddreg [dreg:$0xc]  }
0x2ef: {  	s31 =	rddreg [dreg:$0xa];
	s1 =	sadd.s32 $0x1, s1  }
0x2f0: {  	p0 =	sne.s32 s1, s31  }
.Ltmp2:
0x2f1: {  	_ = 	snop;
	(pc) =	sbr.rel @p0 .LBB2_1-.Ltmp2, $3  }
0x2f2: {  	_ =	sdelay $0x1  }
0x2f3: {  	[sflag:s14] =	ssyncset.done $0x0  }
0x2f4: {  	[sflag:s14] =	ssyncadd.s32 $0xFFFFE000  }
0x2f5: {  	_ =	sfence.sel $0x180000  }
0x2f6: {  	[bflag:$0x0] =	sbarrier.arrive $0xFFFF  }
0x2f7: {  	_ =	strace $0x90000047  }
0x2f8: {  	s0 =	stileid.u32;
	[bflag:$0x2] =	sbarrier.arrive $0xFFFF  }
0x2f9: {  	p0 =	sne.s32 s0, $0x0;
	s0 =	rddreg [dreg:$0x6]  }
0x2fa: {  	s0 =	sadd.s32 @!p0 $0x100000, s0  }
0x2fb: {  	[sflag:s0] =	ssyncadd.tile.s32 @!p0 $0x1;
	_ =	shalt  }
.Lfunc_end2:
_tile_overlayer_lowered:
.L_overlay_start_2:
0x2fc: {  	(tag) =	ssettag $0x2  }
0x2fd: {  	s0 =	rddreg [dreg:$0x0];
	s2 =	stileid.u32  }
0x2fe: {  	s1 =	rddreg [dreg:$0x1];
	p0 =	sne.s32 s2, $0x0  }
0x2ff: {  	s3 =	rddreg [dreg:$0x2];
	[bflag:$0x3] =	sbarrier.arrive $0xFFFF;
	s2 =	simm.s32 @!p0 $0x1C05  }
0x300: {  	[timem:s3], [sflag:s2] =	dma.local @!p0 [hbm:s0], s1  }
0x301: {  	s0 =	simm.s32 @!p0 $0x5  }
0x302: {  	_ =	swait.ge @!p0 [sflag:s0], s1  }
0x303: {  	s1 =	ssub.s32 @!p0 $0x0, s1;
	[sflag:s0] =	ssyncset.done @!p0 $0x0  }
0x304: {  	[sflag:s0] =	ssyncadd.s32 @!p0 s1  }
0x305: {  	[bflag:$0x3] =	sbarrier.arrive $0xFFFF  }
0x306: {  	_ =	shalt  }

</sc_bundles>
